<compile_context>
chip_gen: v7x
topology: tpu7x:2x2x1
jax: 0.10.2.dev20260603
libtpu: 0.0.44.dev20260713+nightly
codegen_flags: <defaults>
</compile_context>

<pallas_src>
import jax
import jax.numpy as jnp
from jax import lax
from jax.experimental import pallas as pl
from jax.experimental.pallas import tpu as pltpu
from jax.experimental.pallas import tpu_sc as plsc

NC = 2
NS = 16
NW = NC * NS

N_SUM = 10016
N_CNT = 10240
SINK = 10008
ROWS_PAD = 2512
BIG = 25


def _sc_mesh():
    return plsc.VectorSubcoreMesh(core_axis_name="c", subcore_axis_name="s")


def _segment_sum_sc(x, src2d, dst2d, zeros2d, zeros1d, with_cnt):
    n, d = x.shape
    rpt = 624
    tail = n - NS * rpt
    zpt = N_SUM - NS * rpt
    cpt = N_CNT // NS

    out_type = [jax.ShapeDtypeStruct((NC, n, d), jnp.float32)]
    scratch = [
        pltpu.VMEM((80, 128), jnp.int32),
        pltpu.VMEM((80, 128), jnp.int32),
        pltpu.VMEM((128, d), jnp.float32),
        pltpu.VMEM_SHARED((N_SUM, d), jnp.float32),
        pltpu.SemaphoreType.DMA,
        pltpu.SemaphoreType.DMA,
    ]
    if with_cnt:
        out_type.append(jax.ShapeDtypeStruct((NC, N_CNT), jnp.float32))
        scratch += [
            pltpu.VMEM((128,), jnp.float32),
            pltpu.VMEM_SHARED((N_CNT,), jnp.float32),
        ]

    def body(x_h, src_h, dst_h, z2_h, z1_h, *rest):
        if with_cnt:
            (sum_o, cnt_o, src_v, dst_v, buf_v, acc_s, sem0, sem1,
             ones_v, cacc_s) = rest
        else:
            sum_o, src_v, dst_v, buf_v, acc_s, sem0, sem1 = rest
        c = lax.axis_index("c")
        s = lax.axis_index("s")
        wid = c * NS + s

        pltpu.sync_copy(z2_h.at[pl.ds(s * rpt, rpt)],
                        acc_s.at[pl.ds(s * rpt, rpt)])

        @pl.when(s == 0)
        def _():
            pltpu.sync_copy(z2_h.at[pl.ds(NS * rpt, zpt)],
                            acc_s.at[pl.ds(NS * rpt, zpt)])

        if with_cnt:
            def fill_ones(i, carry):
                ones_v[pl.ds(i * 16, 16)] = jnp.full((16,), 1.0, jnp.float32)
                return carry
            lax.fori_loop(0, 8, fill_ones, 0)
            pltpu.sync_copy(z1_h.at[pl.ds(s * cpt, cpt)],
                            cacc_s.at[pl.ds(s * cpt, cpt)])
        plsc.subcore_barrier()

        nr = jnp.where(wid < BIG, 80, 72)
        base = jnp.minimum(wid, BIG) * 80 + jnp.maximum(wid - BIG, 0) * 72
        pltpu.sync_copy(src_h.at[pl.ds(base, 80)], src_v)
        pltpu.sync_copy(dst_h.at[pl.ds(base, 80)], dst_v)

        def step(j, carry):
            pltpu.async_copy(x_h.at[src_v.at[j]], buf_v, sem0).wait()
            pltpu.sync_copy(buf_v, acc_s.at[dst_v.at[j]], add=True)
            if with_cnt:
                pltpu.sync_copy(ones_v, cacc_s.at[dst_v.at[j]], add=True)
            return carry
        lax.fori_loop(0, nr, step, 0)

        plsc.subcore_barrier()

        pltpu.sync_copy(acc_s.at[pl.ds(s * rpt, rpt)],
                        sum_o.at[c, pl.ds(s * rpt, rpt)])

        @pl.when(s == 0)
        def _():
            pltpu.sync_copy(acc_s.at[pl.ds(NS * rpt, tail)],
                            sum_o.at[c, pl.ds(NS * rpt, tail)])

        if with_cnt:
            pltpu.sync_copy(cacc_s.at[pl.ds(s * cpt, cpt)],
                            cnt_o.at[c, pl.ds(s * cpt, cpt)])

    k = pl.kernel(body, out_type=tuple(out_type), mesh=_sc_mesh(),
                  scratch_types=tuple(scratch))
    return k(x, src2d, dst2d, zeros2d, zeros1d)


def _pair_gather_sc(h, pairs2d):
    n, d = h.shape
    rows = pairs2d.shape[1]
    rpw = rows // NW
    p = rows * 128

    def body(h_h, p_h, hs_o, hd_o, idxs_v, idxd_v, buf_v, sem0, sem1):
        c = lax.axis_index("c")
        s = lax.axis_index("s")
        wid = c * NS + s
        pltpu.sync_copy(p_h.at[0, pl.ds(wid * rpw, rpw)], idxs_v)
        pltpu.sync_copy(p_h.at[1, pl.ds(wid * rpw, rpw)], idxd_v)

        def step(j, carry):
            row = wid * rpw + j
            pltpu.async_copy(h_h.at[idxs_v.at[j]], buf_v.at[0], sem0).wait()
            pltpu.sync_copy(buf_v.at[0], hs_o.at[pl.ds(row * 128, 128)])
            pltpu.async_copy(h_h.at[idxd_v.at[j]], buf_v.at[1], sem1).wait()
            pltpu.sync_copy(buf_v.at[1], hd_o.at[pl.ds(row * 128, 128)])
            return carry
        lax.fori_loop(0, rpw, step, 0)

    k = pl.kernel(
        body,
        out_type=(jax.ShapeDtypeStruct((p, d), jnp.float32),
                  jax.ShapeDtypeStruct((p, d), jnp.float32)),
        mesh=_sc_mesh(),
        scratch_types=(
            pltpu.VMEM((rpw, 128), jnp.int32),
            pltpu.VMEM((rpw, 128), jnp.int32),
            pltpu.VMEM((2, 128, d), jnp.float32),
            pltpu.SemaphoreType.DMA,
            pltpu.SemaphoreType.DMA,
        ),
    )
    return k(h, pairs2d)


def _sage_dense_tc(sum2, cnt_t, x, wl, wr, b, relu):
    n, d = x.shape
    r = 1000

    def body(sum_ref, cnt_ref, x_ref, wl_ref, wr_ref, b_ref, o_ref):
        ssum = sum_ref[0] + sum_ref[1]
        cnt = cnt_ref[:, 0] + cnt_ref[:, 1]
        agg = ssum / jnp.clip(cnt, 1.0)[:, None]
        h = (jnp.dot(agg, wl_ref[...], preferred_element_type=jnp.float32)
             + jnp.dot(x_ref[...], wr_ref[...],
                       preferred_element_type=jnp.float32)
             + b_ref[...])
        if relu:
            h = jnp.maximum(h, 0.0)
        o_ref[...] = h

    return pl.pallas_call(
        body,
        grid=(n // r,),
        in_specs=[
            pl.BlockSpec((NC, r, d), lambda i: (0, i, 0)),
            pl.BlockSpec((r, NC), lambda i: (i, 0)),
            pl.BlockSpec((r, d), lambda i: (i, 0)),
            pl.BlockSpec((d, d), lambda i: (0, 0)),
            pl.BlockSpec((d, d), lambda i: (0, 0)),
            pl.BlockSpec((1, d), lambda i: (0, 0)),
        ],
        out_specs=pl.BlockSpec((r, d), lambda i: (i, 0)),
        out_shape=jax.ShapeDtypeStruct((n, d), jnp.float32),
    )(sum2, cnt_t, x, wl, wr, b)


def _predictor_tc(hs, hd, wpa, wpb, bp1, wp2, bp2):
    p, d = hs.shape
    q = 2048

    def body(hs_ref, hd_ref, wpa_ref, wpb_ref, bp1_ref, wp2_ref, bp2_ref,
             o_ref):
        z = (jnp.dot(hs_ref[...], wpa_ref[...],
                     preferred_element_type=jnp.float32)
             + jnp.dot(hd_ref[...], wpb_ref[...],
                       preferred_element_type=jnp.float32)
             + bp1_ref[...])
        z = jnp.maximum(z, 0.0)
        o = jnp.dot(z, wp2_ref[...], preferred_element_type=jnp.float32)
        o_ref[...] = jax.nn.sigmoid(o + bp2_ref[...])

    return pl.pallas_call(
        body,
        grid=(p // q,),
        in_specs=[
            pl.BlockSpec((q, d), lambda i: (i, 0)),
            pl.BlockSpec((q, d), lambda i: (i, 0)),
            pl.BlockSpec((d, d), lambda i: (0, 0)),
            pl.BlockSpec((d, d), lambda i: (0, 0)),
            pl.BlockSpec((1, d), lambda i: (0, 0)),
            pl.BlockSpec((d, 1), lambda i: (0, 0)),
            pl.BlockSpec((1, 1), lambda i: (0, 0)),
        ],
        out_specs=pl.BlockSpec((q, 1), lambda i: (i, 0)),
        out_shape=jax.ShapeDtypeStruct((p, 1), jnp.float32),
    )(hs, hd, wpa, wpb, bp1, wp2, bp2)


def kernel(x, edge_index, edge_pairs, W1l, W1r, b1, W2l, W2r, b2,
           Wp1, bp1, Wp2, bp2):
    n, d = x.shape
    rows = edge_index.shape[1] // 128
    src2d = jnp.pad(edge_index[0].reshape(rows, 128),
                    ((0, ROWS_PAD - rows), (0, 0)))
    dst2d = jnp.pad(edge_index[1].reshape(rows, 128),
                    ((0, ROWS_PAD - rows), (0, 0)), constant_values=SINK)
    zeros2d = jnp.zeros((N_SUM, d), jnp.float32)
    zeros1d = jnp.zeros((N_CNT,), jnp.float32)

    sum1, cnt = _segment_sum_sc(x, src2d, dst2d, zeros2d, zeros1d,
                                with_cnt=True)
    cnt_t = cnt[:, :n].T
    h1 = _sage_dense_tc(sum1, cnt_t, x, W1l, W1r, b1.reshape(1, -1),
                        relu=True)
    (sum2,) = _segment_sum_sc(h1, src2d, dst2d, zeros2d, zeros1d,
                              with_cnt=False)
    h = _sage_dense_tc(sum2, cnt_t, h1, W2l, W2r, b2.reshape(1, -1),
                       relu=False)

    pairs2d = edge_pairs.reshape(2, -1, 128)
    hs, hd = _pair_gather_sc(h, pairs2d)
    out = _predictor_tc(hs, hd, Wp1[:d], Wp1[d:], bp1.reshape(1, -1),
                        Wp2, bp2.reshape(1, 1))
    return out[:, 0]

# --- scband reference (transcript-rebuilt; emitter-appended) ---
"""Pipeline reference for scband-graph-sage-link-predictor-21199958573768 (READ-ONLY COPY).

The authoritative reference and input builder live on the scoring server;
editing this copy changes nothing except your own understanding.
"""

import jax, jax.numpy as jnp
import numpy as np

N = 10000
E = 320000
D = 128
H = 128
P = 65536


def setup_inputs(seed: int = 0) -> dict:
    key = jax.random.key(seed)
    ks = jax.random.split(key, 14)
    x = jax.random.normal(ks[0], (N, D), dtype=jnp.float32)
    edge_index = jax.random.randint(ks[1], (2, E), 0, N, dtype=jnp.int32)
    edge_pairs = jax.random.randint(ks[2], (2, P), 0, N, dtype=jnp.int32)
    s_d = 1.0 / np.sqrt(D)
    s_h = 1.0 / np.sqrt(H)
    s_2h = 1.0 / np.sqrt(2 * H)
    W1l = jax.random.uniform(ks[3], (D, H), jnp.float32, -s_d, s_d)
    W1r = jax.random.uniform(ks[4], (D, H), jnp.float32, -s_d, s_d)
    b1 = jax.random.uniform(ks[5], (H,), jnp.float32, -s_d, s_d)
    W2l = jax.random.uniform(ks[6], (H, H), jnp.float32, -s_h, s_h)
    W2r = jax.random.uniform(ks[7], (H, H), jnp.float32, -s_h, s_h)
    b2 = jax.random.uniform(ks[8], (H,), jnp.float32, -s_h, s_h)
    Wp1 = jax.random.uniform(ks[9], (2 * H, H), jnp.float32, -s_2h, s_2h)
    bp1 = jax.random.uniform(ks[10], (H,), jnp.float32, -s_2h, s_2h)
    Wp2 = jax.random.uniform(ks[11], (H, 1), jnp.float32, -s_h, s_h)
    bp2 = jax.random.uniform(ks[12], (1,), jnp.float32, -s_h, s_h)
    return {"x": x, "edge_index": edge_index, "edge_pairs": edge_pairs,
            "W1l": W1l, "W1r": W1r, "b1": b1,
            "W2l": W2l, "W2r": W2r, "b2": b2,
            "Wp1": Wp1, "bp1": bp1, "Wp2": Wp2, "bp2": bp2}


def _sage_conv(x, edge_index, Wl, Wr, b):
    # PyG SAGEConv (mean aggr): out = lin_l(mean_{j in N(i)} x_j) + lin_r(x_i)
    src = edge_index[0]
    dst = edge_index[1]
    msg = jnp.take(x, src, axis=0)
    summed = jax.ops.segment_sum(msg, dst, num_segments=N)
    cnt = jax.ops.segment_sum(jnp.ones((edge_index.shape[1],), x.dtype), dst, num_segments=N)
    agg = summed / jnp.clip(cnt, 1.0)[:, None]
    return agg @ Wl + x @ Wr + b


def reference(x, edge_index, edge_pairs, W1l, W1r, b1, W2l, W2r, b2, Wp1, bp1, Wp2, bp2):
    h = jax.nn.relu(_sage_conv(x, edge_index, W1l, W1r, b1))
    h = _sage_conv(h, edge_index, W2l, W2r, b2)
    h_src = jnp.take(h, edge_pairs[0], axis=0)
    h_dst = jnp.take(h, edge_pairs[1], axis=0)
    z = jnp.concatenate([h_src, h_dst], axis=1)
    z = jax.nn.relu(z @ Wp1 + bp1)
    out = jax.nn.sigmoid(z @ Wp2 + bp2)
    return jnp.squeeze(out, axis=-1)

if __name__ == "__main__":
    import jax
    _d = setup_inputs()
    print(jax.jit(kernel)(*tuple(_d.values())))

</pallas_src>

<mosaic_0001>
#map = affine_map<(d0, d1) -> (0, 0)>
#map1 = affine_map<(d0, d1) -> (0, 0, 0)>
module attributes {stable_mosaic.version = 14 : i64} {
  func.func @body(%arg0: i32, %arg1: i32, %arg2: memref<10000x128xf32, #tpu.memory_space<hbm>>, %arg3: memref<2x512x128xi32, #tpu.memory_space<hbm>>, %arg4: memref<65536x128xf32, #tpu.memory_space<hbm>>, %arg5: memref<65536x128xf32, #tpu.memory_space<hbm>>, %arg6: memref<16x128xi32, #tpu.memory_space<vmem>>, %arg7: memref<16x128xi32, #tpu.memory_space<vmem>>, %arg8: memref<2x128x128xf32, #tpu.memory_space<vmem>>, %arg9: memref<!tpu.dma_semaphore, #tpu.memory_space<semaphore_mem>>, %arg10: memref<!tpu.dma_semaphore, #tpu.memory_space<semaphore_mem>>) attributes {dimension_semantics = [#tpu.dimension_semantics<core_parallel>, #tpu.dimension_semantics<subcore_parallel>], iteration_bounds = array<i64: 2, 16>, scalar_prefetch = 0 : i64, scratch_operands = 5 : i64, tpu.core_type = #tpu.core_type<sc_vector_subcore>, window_params = [{transform_indices = #map}, {transform_indices = #map1}, {transform_indices = #map}, {transform_indices = #map}]} {
    %mul3A = arith.constant 16 : i32
    %mul3A_0 = arith.muli %arg0, %mul3A : i32
    %add3A = arith.addi %mul3A_0, %arg1 : i32
    %mul3A_1 = arith.constant 16 : i32
    %mul3A_2 = arith.muli %add3A, %mul3A_1 : i32
    %run_scoped3A = arith.constant 0 : i32
    "tpu.region"() ({
      %run_scoped3A_11 = tpu.sem_alloc : memref<!tpu.dma_semaphore, #tpu.memory_space<semaphore_mem>>
      %dma_start3A = arith.constant 0 : i32
      %dma_start3A_12 = tpu.memref_slice %arg3[%run_scoped3A, %mul3A_2, %dma_start3A] : memref<2x512x128xi32, #tpu.memory_space<hbm>> -> memref<1x16x128xi32, #tpu.memory_space<hbm>>
      %dma_start3A_13 = tpu.memref_squeeze %dma_start3A_12 : memref<1x16x128xi32, #tpu.memory_space<hbm>> -> memref<16x128xi32, #tpu.memory_space<hbm>>
      %dma_start3A_14 = arith.constant 0 : i32
      %dma_start3A_15 = tpu.memref_slice %arg3[%run_scoped3A, %mul3A_2, %dma_start3A_14] : memref<2x512x128xi32, #tpu.memory_space<hbm>> -> memref<1x16x128xi32, #tpu.memory_space<hbm>>
      %dma_start3A_16 = tpu.memref_squeeze %dma_start3A_15 : memref<1x16x128xi32, #tpu.memory_space<hbm>> -> memref<16x128xi32, #tpu.memory_space<hbm>>
      tpu.enqueue_dma source(%dma_start3A_16 : memref<16x128xi32, #tpu.memory_space<hbm>>) target(%arg6 : memref<16x128xi32, #tpu.memory_space<vmem>>) target_semaphore(%run_scoped3A_11 : memref<!tpu.dma_semaphore, #tpu.memory_space<semaphore_mem>>)
      %dma_wait3A = arith.constant 0 : i32
      %dma_wait3A_17 = tpu.memref_slice %arg3[%run_scoped3A, %mul3A_2, %dma_wait3A] : memref<2x512x128xi32, #tpu.memory_space<hbm>> -> memref<1x16x128xi32, #tpu.memory_space<hbm>>
      %dma_wait3A_18 = tpu.memref_squeeze %dma_wait3A_17 : memref<1x16x128xi32, #tpu.memory_space<hbm>> -> memref<16x128xi32, #tpu.memory_space<hbm>>
      %dma_wait3A_19 = arith.constant 0 : i32
      %dma_wait3A_20 = tpu.memref_slice %arg3[%run_scoped3A, %mul3A_2, %dma_wait3A_19] : memref<2x512x128xi32, #tpu.memory_space<hbm>> -> memref<1x16x128xi32, #tpu.memory_space<hbm>>
      %dma_wait3A_21 = tpu.memref_squeeze %dma_wait3A_20 : memref<1x16x128xi32, #tpu.memory_space<hbm>> -> memref<16x128xi32, #tpu.memory_space<hbm>>
      tpu.wait_dma2 semaphore(%run_scoped3A_11 : memref<!tpu.dma_semaphore, #tpu.memory_space<semaphore_mem>>) src(%dma_wait3A_21 : memref<16x128xi32, #tpu.memory_space<hbm>>) dst(%arg6 : memref<16x128xi32, #tpu.memory_space<vmem>>)
      tpu.yield
    }) : () -> ()
    %mul3A_3 = arith.constant 16 : i32
    %mul3A_4 = arith.muli %add3A, %mul3A_3 : i32
    %run_scoped3A_5 = arith.constant 1 : i32
    "tpu.region"() ({
      %run_scoped3A_11 = tpu.sem_alloc : memref<!tpu.dma_semaphore, #tpu.memory_space<semaphore_mem>>
      %dma_start3A = arith.constant 0 : i32
      %dma_start3A_12 = tpu.memref_slice %arg3[%run_scoped3A_5, %mul3A_4, %dma_start3A] : memref<2x512x128xi32, #tpu.memory_space<hbm>> -> memref<1x16x128xi32, #tpu.memory_space<hbm>>
      %dma_start3A_13 = tpu.memref_squeeze %dma_start3A_12 : memref<1x16x128xi32, #tpu.memory_space<hbm>> -> memref<16x128xi32, #tpu.memory_space<hbm>>
      %dma_start3A_14 = arith.constant 0 : i32
      %dma_start3A_15 = tpu.memref_slice %arg3[%run_scoped3A_5, %mul3A_4, %dma_start3A_14] : memref<2x512x128xi32, #tpu.memory_space<hbm>> -> memref<1x16x128xi32, #tpu.memory_space<hbm>>
      %dma_start3A_16 = tpu.memref_squeeze %dma_start3A_15 : memref<1x16x128xi32, #tpu.memory_space<hbm>> -> memref<16x128xi32, #tpu.memory_space<hbm>>
      tpu.enqueue_dma source(%dma_start3A_16 : memref<16x128xi32, #tpu.memory_space<hbm>>) target(%arg7 : memref<16x128xi32, #tpu.memory_space<vmem>>) target_semaphore(%run_scoped3A_11 : memref<!tpu.dma_semaphore, #tpu.memory_space<semaphore_mem>>)
      %dma_wait3A = arith.constant 0 : i32
      %dma_wait3A_17 = tpu.memref_slice %arg3[%run_scoped3A_5, %mul3A_4, %dma_wait3A] : memref<2x512x128xi32, #tpu.memory_space<hbm>> -> memref<1x16x128xi32, #tpu.memory_space<hbm>>
      %dma_wait3A_18 = tpu.memref_squeeze %dma_wait3A_17 : memref<1x16x128xi32, #tpu.memory_space<hbm>> -> memref<16x128xi32, #tpu.memory_space<hbm>>
      %dma_wait3A_19 = arith.constant 0 : i32
      %dma_wait3A_20 = tpu.memref_slice %arg3[%run_scoped3A_5, %mul3A_4, %dma_wait3A_19] : memref<2x512x128xi32, #tpu.memory_space<hbm>> -> memref<1x16x128xi32, #tpu.memory_space<hbm>>
      %dma_wait3A_21 = tpu.memref_squeeze %dma_wait3A_20 : memref<1x16x128xi32, #tpu.memory_space<hbm>> -> memref<16x128xi32, #tpu.memory_space<hbm>>
      tpu.wait_dma2 semaphore(%run_scoped3A_11 : memref<!tpu.dma_semaphore, #tpu.memory_space<semaphore_mem>>) src(%dma_wait3A_21 : memref<16x128xi32, #tpu.memory_space<hbm>>) dst(%arg7 : memref<16x128xi32, #tpu.memory_space<vmem>>)
      tpu.yield
    }) : () -> ()
    %scan3A = arith.constant 0 : i32
    %scan3A_6 = arith.constant 0 : i32
    %scan3A_7 = arith.constant 16 : i32
    %scan3A_8 = arith.addi %scan3A_6, %scan3A_7 : i32
    %scan3A_9 = arith.constant 1 : i32
    scf.for %scan3A_11 = %scan3A_6 to %scan3A_8 step %scan3A_9  : i32 {
      %mul3A_12 = arith.constant 16 : i32
      %mul3A_13 = arith.muli %add3A, %mul3A_12 : i32
      %add3A_14 = arith.addi %mul3A_13, %scan3A_11 : i32
      %dma_start3A = arith.constant 0 : i32
      %dma_start3A_15 = arith.constant 0 : i32
      %dma_start3A_16 = arith.constant 0 : i32
      %dma_start3A_17 = tpu.memref_slice %arg8[%dma_start3A, %dma_start3A_15, %dma_start3A_16] : memref<2x128x128xf32, #tpu.memory_space<vmem>> -> memref<1x128x128xf32, #tpu.memory_space<vmem>>
      %dma_start3A_18 = tpu.memref_squeeze %dma_start3A_17 : memref<1x128x128xf32, #tpu.memory_space<vmem>> -> memref<128x128xf32, #tpu.memory_space<vmem>>
      %dma_start3A_19 = arith.constant 0 : i32
      %dma_start3A_20 = tpu.memref_slice %arg6[%scan3A_11, %dma_start3A_19] : memref<16x128xi32, #tpu.memory_space<vmem>> -> memref<1x128xi32, #tpu.memory_space<vmem>>
      %dma_start3A_21 = tpu.memref_squeeze %dma_start3A_20 : memref<1x128xi32, #tpu.memory_space<vmem>> -> memref<128xi32, #tpu.memory_space<vmem>>
      %dma_start3A_22 = arith.constant 0 : i32
      %dma_start3A_23 = arith.constant 0 : i32
      %dma_start3A_24 = tpu.memref_slice %arg2[%dma_start3A_22, %dma_start3A_23] : memref<10000x128xf32, #tpu.memory_space<hbm>> -> memref<10000x128xf32, #tpu.memory_space<hbm>>
      tpu.enqueue_indirect_dma source(%dma_start3A_24 : memref<10000x128xf32, #tpu.memory_space<hbm>>) target(%dma_start3A_18 : memref<128x128xf32, #tpu.memory_space<vmem>>) offsets(%dma_start3A_21 : memref<128xi32, #tpu.memory_space<vmem>>) semaphore(%arg9 : memref<!tpu.dma_semaphore, #tpu.memory_space<semaphore_mem>>)
      %dma_wait3A = arith.constant 0 : i32
      %dma_wait3A_25 = arith.constant 0 : i32
      %dma_wait3A_26 = arith.constant 0 : i32
      %dma_wait3A_27 = tpu.memref_slice %arg8[%dma_wait3A, %dma_wait3A_25, %dma_wait3A_26] : memref<2x128x128xf32, #tpu.memory_space<vmem>> -> memref<1x128x128xf32, #tpu.memory_space<vmem>>
      %dma_wait3A_28 = tpu.memref_squeeze %dma_wait3A_27 : memref<1x128x128xf32, #tpu.memory_space<vmem>> -> memref<128x128xf32, #tpu.memory_space<vmem>>
      %dma_wait3A_29 = arith.constant 0 : i32
      %dma_wait3A_30 = tpu.memref_slice %arg6[%scan3A_11, %dma_wait3A_29] : memref<16x128xi32, #tpu.memory_space<vmem>> -> memref<1x128xi32, #tpu.memory_space<vmem>>
      %dma_wait3A_31 = tpu.memref_squeeze %dma_wait3A_30 : memref<1x128xi32, #tpu.memory_space<vmem>> -> memref<128xi32, #tpu.memory_space<vmem>>
      %dma_wait3A_32 = arith.constant 0 : i32
      %dma_wait3A_33 = arith.constant 0 : i32
      %dma_wait3A_34 = tpu.memref_slice %arg2[%dma_wait3A_32, %dma_wait3A_33] : memref<10000x128xf32, #tpu.memory_space<hbm>> -> memref<10000x128xf32, #tpu.memory_space<hbm>>
      tpu.wait_indirect_dma semaphore(%arg9 : memref<!tpu.dma_semaphore, #tpu.memory_space<semaphore_mem>>) src(%dma_wait3A_34 : memref<10000x128xf32, #tpu.memory_space<hbm>>) dst(%dma_wait3A_28 : memref<128x128xf32, #tpu.memory_space<vmem>>)
      %mul3A_35 = arith.constant 128 : i32
      %mul3A_36 = arith.muli %add3A_14, %mul3A_35 : i32
      %run_scoped3A_37 = arith.constant 0 : i32
      "tpu.region"() ({
        %run_scoped3A_63 = tpu.sem_alloc : memref<!tpu.dma_semaphore, #tpu.memory_space<semaphore_mem>>
        %dma_start3A_64 = arith.constant 0 : i32
        %dma_start3A_65 = arith.constant 0 : i32
        %dma_start3A_66 = tpu.memref_slice %arg8[%run_scoped3A_37, %dma_start3A_64, %dma_start3A_65] : memref<2x128x128xf32, #tpu.memory_space<vmem>> -> memref<1x128x128xf32, #tpu.memory_space<vmem>>
        %dma_start3A_67 = tpu.memref_squeeze %dma_start3A_66 : memref<1x128x128xf32, #tpu.memory_space<vmem>> -> memref<128x128xf32, #tpu.memory_space<vmem>>
        %dma_start3A_68 = arith.constant 0 : i32
        %dma_start3A_69 = tpu.memref_slice %arg4[%mul3A_36, %dma_start3A_68] : memref<65536x128xf32, #tpu.memory_space<hbm>> -> memref<128x128xf32, #tpu.memory_space<hbm>>
        %dma_start3A_70 = arith.constant 0 : i32
        %dma_start3A_71 = tpu.memref_slice %arg4[%mul3A_36, %dma_start3A_70] : memref<65536x128xf32, #tpu.memory_space<hbm>> -> memref<128x128xf32, #tpu.memory_space<hbm>>
        %dma_start3A_72 = arith.constant 0 : i32
        %dma_start3A_73 = arith.constant 0 : i32
        %dma_start3A_74 = tpu.memref_slice %arg8[%run_scoped3A_37, %dma_start3A_72, %dma_start3A_73] : memref<2x128x128xf32, #tpu.memory_space<vmem>> -> memref<1x128x128xf32, #tpu.memory_space<vmem>>
        %dma_start3A_75 = tpu.memref_squeeze %dma_start3A_74 : memref<1x128x128xf32, #tpu.memory_space<vmem>> -> memref<128x128xf32, #tpu.memory_space<vmem>>
        tpu.enqueue_dma source(%dma_start3A_75 : memref<128x128xf32, #tpu.memory_space<vmem>>) target(%dma_start3A_71 : memref<128x128xf32, #tpu.memory_space<hbm>>) target_semaphore(%run_scoped3A_63 : memref<!tpu.dma_semaphore, #tpu.memory_space<semaphore_mem>>)
        %dma_wait3A_76 = arith.constant 0 : i32
        %dma_wait3A_77 = arith.constant 0 : i32
        %dma_wait3A_78 = tpu.memref_slice %arg8[%run_scoped3A_37, %dma_wait3A_76, %dma_wait3A_77] : memref<2x128x128xf32, #tpu.memory_space<vmem>> -> memref<1x128x128xf32, #tpu.memory_space<vmem>>
        %dma_wait3A_79 = tpu.memref_squeeze %dma_wait3A_78 : memref<1x128x128xf32, #tpu.memory_space<vmem>> -> memref<128x128xf32, #tpu.memory_space<vmem>>
        %dma_wait3A_80 = arith.constant 0 : i32
        %dma_wait3A_81 = tpu.memref_slice %arg4[%mul3A_36, %dma_wait3A_80] : memref<65536x128xf32, #tpu.memory_space<hbm>> -> memref<128x128xf32, #tpu.memory_space<hbm>>
        %dma_wait3A_82 = arith.constant 0 : i32
        %dma_wait3A_83 = tpu.memref_slice %arg4[%mul3A_36, %dma_wait3A_82] : memref<65536x128xf32, #tpu.memory_space<hbm>> -> memref<128x128xf32, #tpu.memory_space<hbm>>
        %dma_wait3A_84 = arith.constant 0 : i32
        %dma_wait3A_85 = arith.constant 0 : i32
        %dma_wait3A_86 = tpu.memref_slice %arg8[%run_scoped3A_37, %dma_wait3A_84, %dma_wait3A_85] : memref<2x128x128xf32, #tpu.memory_space<vmem>> -> memref<1x128x128xf32, #tpu.memory_space<vmem>>
        %dma_wait3A_87 = tpu.memref_squeeze %dma_wait3A_86 : memref<1x128x128xf32, #tpu.memory_space<vmem>> -> memref<128x128xf32, #tpu.memory_space<vmem>>
        tpu.wait_dma2 semaphore(%run_scoped3A_63 : memref<!tpu.dma_semaphore, #tpu.memory_space<semaphore_mem>>) src(%dma_wait3A_87 : memref<128x128xf32, #tpu.memory_space<vmem>>) dst(%dma_wait3A_83 : memref<128x128xf32, #tpu.memory_space<hbm>>)
        tpu.yield
      }) : () -> ()
      %dma_start3A_38 = arith.constant 1 : i32
      %dma_start3A_39 = arith.constant 0 : i32
      %dma_start3A_40 = arith.constant 0 : i32
      %dma_start3A_41 = tpu.memref_slice %arg8[%dma_start3A_38, %dma_start3A_39, %dma_start3A_40] : memref<2x128x128xf32, #tpu.memory_space<vmem>> -> memref<1x128x128xf32, #tpu.memory_space<vmem>>
      %dma_start3A_42 = tpu.memref_squeeze %dma_start3A_41 : memref<1x128x128xf32, #tpu.memory_space<vmem>> -> memref<128x128xf32, #tpu.memory_space<vmem>>
      %dma_start3A_43 = arith.constant 0 : i32
      %dma_start3A_44 = tpu.memref_slice %arg7[%scan3A_11, %dma_start3A_43] : memref<16x128xi32, #tpu.memory_space<vmem>> -> memref<1x128xi32, #tpu.memory_space<vmem>>
      %dma_start3A_45 = tpu.memref_squeeze %dma_start3A_44 : memref<1x128xi32, #tpu.memory_space<vmem>> -> memref<128xi32, #tpu.memory_space<vmem>>
      %dma_start3A_46 = arith.constant 0 : i32
      %dma_start3A_47 = arith.constant 0 : i32
      %dma_start3A_48 = tpu.memref_slice %arg2[%dma_start3A_46, %dma_start3A_47] : memref<10000x128xf32, #tpu.memory_space<hbm>> -> memref<10000x128xf32, #tpu.memory_space<hbm>>
      tpu.enqueue_indirect_dma source(%dma_start3A_48 : memref<10000x128xf32, #tpu.memory_space<hbm>>) target(%dma_start3A_42 : memref<128x128xf32, #tpu.memory_space<vmem>>) offsets(%dma_start3A_45 : memref<128xi32, #tpu.memory_space<vmem>>) semaphore(%arg10 : memref<!tpu.dma_semaphore, #tpu.memory_space<semaphore_mem>>)
      %dma_wait3A_49 = arith.constant 1 : i32
      %dma_wait3A_50 = arith.constant 0 : i32
      %dma_wait3A_51 = arith.constant 0 : i32
      %dma_wait3A_52 = tpu.memref_slice %arg8[%dma_wait3A_49, %dma_wait3A_50, %dma_wait3A_51] : memref<2x128x128xf32, #tpu.memory_space<vmem>> -> memref<1x128x128xf32, #tpu.memory_space<vmem>>
      %dma_wait3A_53 = tpu.memref_squeeze %dma_wait3A_52 : memref<1x128x128xf32, #tpu.memory_space<vmem>> -> memref<128x128xf32, #tpu.memory_space<vmem>>
      %dma_wait3A_54 = arith.constant 0 : i32
      %dma_wait3A_55 = tpu.memref_slice %arg7[%scan3A_11, %dma_wait3A_54] : memref<16x128xi32, #tpu.memory_space<vmem>> -> memref<1x128xi32, #tpu.memory_space<vmem>>
      %dma_wait3A_56 = tpu.memref_squeeze %dma_wait3A_55 : memref<1x128xi32, #tpu.memory_space<vmem>> -> memref<128xi32, #tpu.memory_space<vmem>>
      %dma_wait3A_57 = arith.constant 0 : i32
      %dma_wait3A_58 = arith.constant 0 : i32
      %dma_wait3A_59 = tpu.memref_slice %arg2[%dma_wait3A_57, %dma_wait3A_58] : memref<10000x128xf32, #tpu.memory_space<hbm>> -> memref<10000x128xf32, #tpu.memory_space<hbm>>
      tpu.wait_indirect_dma semaphore(%arg10 : memref<!tpu.dma_semaphore, #tpu.memory_space<semaphore_mem>>) src(%dma_wait3A_59 : memref<10000x128xf32, #tpu.memory_space<hbm>>) dst(%dma_wait3A_53 : memref<128x128xf32, #tpu.memory_space<vmem>>)
      %mul3A_60 = arith.constant 128 : i32
      %mul3A_61 = arith.muli %add3A_14, %mul3A_60 : i32
      %run_scoped3A_62 = arith.constant 1 : i32
      "tpu.region"() ({
        %run_scoped3A_63 = tpu.sem_alloc : memref<!tpu.dma_semaphore, #tpu.memory_space<semaphore_mem>>
        %dma_start3A_64 = arith.constant 0 : i32
        %dma_start3A_65 = arith.constant 0 : i32
        %dma_start3A_66 = tpu.memref_slice %arg8[%run_scoped3A_62, %dma_start3A_64, %dma_start3A_65] : memref<2x128x128xf32, #tpu.memory_space<vmem>> -> memref<1x128x128xf32, #tpu.memory_space<vmem>>
        %dma_start3A_67 = tpu.memref_squeeze %dma_start3A_66 : memref<1x128x128xf32, #tpu.memory_space<vmem>> -> memref<128x128xf32, #tpu.memory_space<vmem>>
        %dma_start3A_68 = arith.constant 0 : i32
        %dma_start3A_69 = tpu.memref_slice %arg5[%mul3A_61, %dma_start3A_68] : memref<65536x128xf32, #tpu.memory_space<hbm>> -> memref<128x128xf32, #tpu.memory_space<hbm>>
        %dma_start3A_70 = arith.constant 0 : i32
        %dma_start3A_71 = tpu.memref_slice %arg5[%mul3A_61, %dma_start3A_70] : memref<65536x128xf32, #tpu.memory_space<hbm>> -> memref<128x128xf32, #tpu.memory_space<hbm>>
        %dma_start3A_72 = arith.constant 0 : i32
        %dma_start3A_73 = arith.constant 0 : i32
        %dma_start3A_74 = tpu.memref_slice %arg8[%run_scoped3A_62, %dma_start3A_72, %dma_start3A_73] : memref<2x128x128xf32, #tpu.memory_space<vmem>> -> memref<1x128x128xf32, #tpu.memory_space<vmem>>
        %dma_start3A_75 = tpu.memref_squeeze %dma_start3A_74 : memref<1x128x128xf32, #tpu.memory_space<vmem>> -> memref<128x128xf32, #tpu.memory_space<vmem>>
        tpu.enqueue_dma source(%dma_start3A_75 : memref<128x128xf32, #tpu.memory_space<vmem>>) target(%dma_start3A_71 : memref<128x128xf32, #tpu.memory_space<hbm>>) target_semaphore(%run_scoped3A_63 : memref<!tpu.dma_semaphore, #tpu.memory_space<semaphore_mem>>)
        %dma_wait3A_76 = arith.constant 0 : i32
        %dma_wait3A_77 = arith.constant 0 : i32
        %dma_wait3A_78 = tpu.memref_slice %arg8[%run_scoped3A_62, %dma_wait3A_76, %dma_wait3A_77] : memref<2x128x128xf32, #tpu.memory_space<vmem>> -> memref<1x128x128xf32, #tpu.memory_space<vmem>>
        %dma_wait3A_79 = tpu.memref_squeeze %dma_wait3A_78 : memref<1x128x128xf32, #tpu.memory_space<vmem>> -> memref<128x128xf32, #tpu.memory_space<vmem>>
        %dma_wait3A_80 = arith.constant 0 : i32
        %dma_wait3A_81 = tpu.memref_slice %arg5[%mul3A_61, %dma_wait3A_80] : memref<65536x128xf32, #tpu.memory_space<hbm>> -> memref<128x128xf32, #tpu.memory_space<hbm>>
        %dma_wait3A_82 = arith.constant 0 : i32
        %dma_wait3A_83 = tpu.memref_slice %arg5[%mul3A_61, %dma_wait3A_82] : memref<65536x128xf32, #tpu.memory_space<hbm>> -> memref<128x128xf32, #tpu.memory_space<hbm>>
        %dma_wait3A_84 = arith.constant 0 : i32
        %dma_wait3A_85 = arith.constant 0 : i32
        %dma_wait3A_86 = tpu.memref_slice %arg8[%run_scoped3A_62, %dma_wait3A_84, %dma_wait3A_85] : memref<2x128x128xf32, #tpu.memory_space<vmem>> -> memref<1x128x128xf32, #tpu.memory_space<vmem>>
        %dma_wait3A_87 = tpu.memref_squeeze %dma_wait3A_86 : memref<1x128x128xf32, #tpu.memory_space<vmem>> -> memref<128x128xf32, #tpu.memory_space<vmem>>
        tpu.wait_dma2 semaphore(%run_scoped3A_63 : memref<!tpu.dma_semaphore, #tpu.memory_space<semaphore_mem>>) src(%dma_wait3A_87 : memref<128x128xf32, #tpu.memory_space<vmem>>) dst(%dma_wait3A_83 : memref<128x128xf32, #tpu.memory_space<hbm>>)
        tpu.yield
      }) : () -> ()
    }
    %scan3A_10 = arith.constant 16 : i32
    return
  }
}

#map = affine_map<(d0, d1) -> (0, 0)>
#map1 = affine_map<(d0, d1) -> (0)>
#map2 = affine_map<(d0, d1) -> (0, 0, 0)>
module attributes {stable_mosaic.version = 14 : i64} {
  func.func @body(%arg0: i32, %arg1: i32, %arg2: memref<10000x128xf32, #tpu.memory_space<hbm>>, %arg3: memref<2512x128xi32, #tpu.memory_space<hbm>>, %arg4: memref<2512x128xi32, #tpu.memory_space<hbm>>, %arg5: memref<10016x128xf32, #tpu.memory_space<hbm>>, %arg6: memref<10240xf32, #tpu.memory_space<hbm>>, %arg7: memref<2x10000x128xf32, #tpu.memory_space<hbm>>, %arg8: memref<2x10240xf32, #tpu.memory_space<hbm>>, %arg9: memref<80x128xi32, #tpu.memory_space<vmem>>, %arg10: memref<80x128xi32, #tpu.memory_space<vmem>>, %arg11: memref<128x128xf32, #tpu.memory_space<vmem>>, %arg12: memref<10016x128xf32, #tpu.memory_space<vmem_shared>>, %arg13: memref<!tpu.dma_semaphore, #tpu.memory_space<semaphore_mem>>, %arg14: memref<!tpu.dma_semaphore, #tpu.memory_space<semaphore_mem>>, %arg15: memref<128xf32, #tpu.memory_space<vmem>>, %arg16: memref<10240xf32, #tpu.memory_space<vmem_shared>>) attributes {dimension_semantics = [#tpu.dimension_semantics<core_parallel>, #tpu.dimension_semantics<subcore_parallel>], iteration_bounds = array<i64: 2, 16>, scalar_prefetch = 0 : i64, scratch_operands = 8 : i64, tpu.core_type = #tpu.core_type<sc_vector_subcore>, window_params = [{transform_indices = #map}, {transform_indices = #map}, {transform_indices = #map}, {transform_indices = #map}, {transform_indices = #map1}, {transform_indices = #map2}, {transform_indices = #map}]} {
    %mul3A = arith.constant 16 : i32
    %mul3A_0 = arith.muli %arg0, %mul3A : i32
    %add3A = arith.addi %mul3A_0, %arg1 : i32
    %mul3A_1 = arith.constant 624 : i32
    %mul3A_2 = arith.muli %arg1, %mul3A_1 : i32
    %mul3A_3 = arith.constant 624 : i32
    %mul3A_4 = arith.muli %arg1, %mul3A_3 : i32
    "tpu.region"() ({
      %run_scoped3A = tpu.sem_alloc : memref<!tpu.dma_semaphore, #tpu.memory_space<semaphore_mem>>
      %dma_start3A = arith.constant 0 : i32
      %dma_start3A_49 = tpu.memref_slice %arg12[%mul3A_4, %dma_start3A] : memref<10016x128xf32, #tpu.memory_space<vmem_shared>> -> memref<624x128xf32, #tpu.memory_space<vmem_shared>>
      %dma_start3A_50 = arith.constant 0 : i32
      %dma_start3A_51 = tpu.memref_slice %arg5[%mul3A_2, %dma_start3A_50] : memref<10016x128xf32, #tpu.memory_space<hbm>> -> memref<624x128xf32, #tpu.memory_space<hbm>>
      tpu.enqueue_dma source(%dma_start3A_51 : memref<624x128xf32, #tpu.memory_space<hbm>>) target(%dma_start3A_49 : memref<624x128xf32, #tpu.memory_space<vmem_shared>>) target_semaphore(%run_scoped3A : memref<!tpu.dma_semaphore, #tpu.memory_space<semaphore_mem>>)
      %dma_wait3A = arith.constant 0 : i32
      %dma_wait3A_52 = tpu.memref_slice %arg12[%mul3A_4, %dma_wait3A] : memref<10016x128xf32, #tpu.memory_space<vmem_shared>> -> memref<624x128xf32, #tpu.memory_space<vmem_shared>>
      %dma_wait3A_53 = arith.constant 0 : i32
      %dma_wait3A_54 = tpu.memref_slice %arg5[%mul3A_2, %dma_wait3A_53] : memref<10016x128xf32, #tpu.memory_space<hbm>> -> memref<624x128xf32, #tpu.memory_space<hbm>>
      tpu.wait_dma2 semaphore(%run_scoped3A : memref<!tpu.dma_semaphore, #tpu.memory_space<semaphore_mem>>) src(%dma_wait3A_54 : memref<624x128xf32, #tpu.memory_space<hbm>>) dst(%dma_wait3A_52 : memref<624x128xf32, #tpu.memory_space<vmem_shared>>)
      tpu.yield
    }) : () -> ()
    %eq3A = arith.constant 0 : i32
    %eq3A_5 = arith.cmpi eq, %arg1, %eq3A : i32
    %convert_element_type3A = arith.extui %eq3A_5 : i1 to i32
    %cond3A = arith.constant 0 : i32
    %cond3A_6 = arith.cmpi ne, %convert_element_type3A, %cond3A : i32
    scf.if %cond3A_6 {
      "tpu.region"() ({
        %run_scoped3A = tpu.sem_alloc : memref<!tpu.dma_semaphore, #tpu.memory_space<semaphore_mem>>
        %dma_start3A = arith.constant 9984 : i32
        %dma_start3A_49 = arith.constant 0 : i32
        %dma_start3A_50 = tpu.memref_slice %arg12[%dma_start3A, %dma_start3A_49] : memref<10016x128xf32, #tpu.memory_space<vmem_shared>> -> memref<32x128xf32, #tpu.memory_space<vmem_shared>>
        %dma_start3A_51 = arith.constant 9984 : i32
        %dma_start3A_52 = arith.constant 0 : i32
        %dma_start3A_53 = tpu.memref_slice %arg5[%dma_start3A_51, %dma_start3A_52] : memref<10016x128xf32, #tpu.memory_space<hbm>> -> memref<32x128xf32, #tpu.memory_space<hbm>>
        tpu.enqueue_dma source(%dma_start3A_53 : memref<32x128xf32, #tpu.memory_space<hbm>>) target(%dma_start3A_50 : memref<32x128xf32, #tpu.memory_space<vmem_shared>>) target_semaphore(%run_scoped3A : memref<!tpu.dma_semaphore, #tpu.memory_space<semaphore_mem>>)
        %dma_wait3A = arith.constant 9984 : i32
        %dma_wait3A_54 = arith.constant 0 : i32
        %dma_wait3A_55 = tpu.memref_slice %arg12[%dma_wait3A, %dma_wait3A_54] : memref<10016x128xf32, #tpu.memory_space<vmem_shared>> -> memref<32x128xf32, #tpu.memory_space<vmem_shared>>
        %dma_wait3A_56 = arith.constant 9984 : i32
        %dma_wait3A_57 = arith.constant 0 : i32
        %dma_wait3A_58 = tpu.memref_slice %arg5[%dma_wait3A_56, %dma_wait3A_57] : memref<10016x128xf32, #tpu.memory_space<hbm>> -> memref<32x128xf32, #tpu.memory_space<hbm>>
        tpu.wait_dma2 semaphore(%run_scoped3A : memref<!tpu.dma_semaphore, #tpu.memory_space<semaphore_mem>>) src(%dma_wait3A_58 : memref<32x128xf32, #tpu.memory_space<hbm>>) dst(%dma_wait3A_55 : memref<32x128xf32, #tpu.memory_space<vmem_shared>>)
        tpu.yield
      }) : () -> ()
    } else {
    }
    %scan3A = arith.constant 0 : i32
    %scan3A_7 = arith.constant 0 : i32
    %scan3A_8 = arith.constant 8 : i32
    %scan3A_9 = arith.addi %scan3A_7, %scan3A_8 : i32
    %scan3A_10 = arith.constant 1 : i32
    scf.for %scan3A_49 = %scan3A_7 to %scan3A_9 step %scan3A_10  : i32 {
      %broadcast_in_dim3A = arith.constant 1.000000e+00 : f32
      %broadcast_in_dim3A_50 = vector.broadcast %broadcast_in_dim3A : f32 to vector<16xf32>
      %mul3A_51 = arith.constant 16 : i32
      %mul3A_52 = arith.muli %scan3A_49, %mul3A_51 : i32
      %swap3A = arith.index_cast %mul3A_52 : i32 to index
      %swap3A_53 = tpu.vector_load %arg15[%swap3A] {strides = array<i32>} : memref<128xf32, #tpu.memory_space<vmem>>, vector<16xf32>,
      %swap3A_54 = vector.shape_cast %swap3A_53 : vector<16xf32> to vector<16xf32>
      %swap3A_55 = vector.shape_cast %broadcast_in_dim3A_50 : vector<16xf32> to vector<16xf32>
      tpu.vector_store %arg15[%swap3A], %swap3A_55 {strides = array<i32>} : memref<128xf32, #tpu.memory_space<vmem>>, vector<16xf32>,
    }
    %scan3A_11 = arith.constant 8 : i32
    %mul3A_12 = arith.constant 640 : i32
    %mul3A_13 = arith.muli %arg1, %mul3A_12 : i32
    %mul3A_14 = arith.constant 640 : i32
    %mul3A_15 = arith.muli %arg1, %mul3A_14 : i32
    "tpu.region"() ({
      %run_scoped3A = tpu.sem_alloc : memref<!tpu.dma_semaphore, #tpu.memory_space<semaphore_mem>>
      %dma_start3A = tpu.memref_slice %arg16[%mul3A_15] : memref<10240xf32, #tpu.memory_space<vmem_shared>> -> memref<640xf32, #tpu.memory_space<vmem_shared>>
      %dma_start3A_49 = tpu.memref_slice %arg6[%mul3A_13] : memref<10240xf32, #tpu.memory_space<hbm>> -> memref<640xf32, #tpu.memory_space<hbm>>
      tpu.enqueue_dma source(%dma_start3A_49 : memref<640xf32, #tpu.memory_space<hbm>>) target(%dma_start3A : memref<640xf32, #tpu.memory_space<vmem_shared>>) target_semaphore(%run_scoped3A : memref<!tpu.dma_semaphore, #tpu.memory_space<semaphore_mem>>)
      %dma_wait3A = tpu.memref_slice %arg16[%mul3A_15] : memref<10240xf32, #tpu.memory_space<vmem_shared>> -> memref<640xf32, #tpu.memory_space<vmem_shared>>
      %dma_wait3A_50 = tpu.memref_slice %arg6[%mul3A_13] : memref<10240xf32, #tpu.memory_space<hbm>> -> memref<640xf32, #tpu.memory_space<hbm>>
      tpu.wait_dma2 semaphore(%run_scoped3A : memref<!tpu.dma_semaphore, #tpu.memory_space<semaphore_mem>>) src(%dma_wait3A_50 : memref<640xf32, #tpu.memory_space<hbm>>) dst(%dma_wait3A : memref<640xf32, #tpu.memory_space<vmem_shared>>)
      tpu.yield
    }) : () -> ()
    %barrier3A = arith.constant 0 : index
    tpu.barrier barrier_id(%barrier3A)
    %lt3A = arith.constant 25 : i32
    %lt3A_16 = arith.cmpi slt, %add3A, %lt3A : i32
    %jit3A = arith.constant 80 : i32
    %jit3A_17 = arith.constant 72 : i32
    %select_n3A = arith.select %lt3A_16, %jit3A, %jit3A_17 : i32
    %min3A = arith.constant 25 : i32
    %min3A_18 = arith.minsi %add3A, %min3A : i32
    %mul3A_19 = arith.constant 80 : i32
    %mul3A_20 = arith.muli %min3A_18, %mul3A_19 : i32
    %sub3A = arith.constant 25 : i32
    %sub3A_21 = arith.subi %add3A, %sub3A : i32
    %max3A = arith.constant 0 : i32
    %max3A_22 = arith.maxsi %sub3A_21, %max3A : i32
    %mul3A_23 = arith.constant 72 : i32
    %mul3A_24 = arith.muli %max3A_22, %mul3A_23 : i32
    %add3A_25 = arith.addi %mul3A_20, %mul3A_24 : i32
    "tpu.region"() ({
      %run_scoped3A = tpu.sem_alloc : memref<!tpu.dma_semaphore, #tpu.memory_space<semaphore_mem>>
      %dma_start3A = arith.constant 0 : i32
      %dma_start3A_49 = tpu.memref_slice %arg3[%add3A_25, %dma_start3A] : memref<2512x128xi32, #tpu.memory_space<hbm>> -> memref<80x128xi32, #tpu.memory_space<hbm>>
      %dma_start3A_50 = arith.constant 0 : i32
      %dma_start3A_51 = tpu.memref_slice %arg3[%add3A_25, %dma_start3A_50] : memref<2512x128xi32, #tpu.memory_space<hbm>> -> memref<80x128xi32, #tpu.memory_space<hbm>>
      tpu.enqueue_dma source(%dma_start3A_51 : memref<80x128xi32, #tpu.memory_space<hbm>>) target(%arg9 : memref<80x128xi32, #tpu.memory_space<vmem>>) target_semaphore(%run_scoped3A : memref<!tpu.dma_semaphore, #tpu.memory_space<semaphore_mem>>)
      %dma_wait3A = arith.constant 0 : i32
      %dma_wait3A_52 = tpu.memref_slice %arg3[%add3A_25, %dma_wait3A] : memref<2512x128xi32, #tpu.memory_space<hbm>> -> memref<80x128xi32, #tpu.memory_space<hbm>>
      %dma_wait3A_53 = arith.constant 0 : i32
      %dma_wait3A_54 = tpu.memref_slice %arg3[%add3A_25, %dma_wait3A_53] : memref<2512x128xi32, #tpu.memory_space<hbm>> -> memref<80x128xi32, #tpu.memory_space<hbm>>
      tpu.wait_dma2 semaphore(%run_scoped3A : memref<!tpu.dma_semaphore, #tpu.memory_space<semaphore_mem>>) src(%dma_wait3A_54 : memref<80x128xi32, #tpu.memory_space<hbm>>) dst(%arg9 : memref<80x128xi32, #tpu.memory_space<vmem>>)
      tpu.yield
    }) : () -> ()
    "tpu.region"() ({
      %run_scoped3A = tpu.sem_alloc : memref<!tpu.dma_semaphore, #tpu.memory_space<semaphore_mem>>
      %dma_start3A = arith.constant 0 : i32
      %dma_start3A_49 = tpu.memref_slice %arg4[%add3A_25, %dma_start3A] : memref<2512x128xi32, #tpu.memory_space<hbm>> -> memref<80x128xi32, #tpu.memory_space<hbm>>
      %dma_start3A_50 = arith.constant 0 : i32
      %dma_start3A_51 = tpu.memref_slice %arg4[%add3A_25, %dma_start3A_50] : memref<2512x128xi32, #tpu.memory_space<hbm>> -> memref<80x128xi32, #tpu.memory_space<hbm>>
      tpu.enqueue_dma source(%dma_start3A_51 : memref<80x128xi32, #tpu.memory_space<hbm>>) target(%arg10 : memref<80x128xi32, #tpu.memory_space<vmem>>) target_semaphore(%run_scoped3A : memref<!tpu.dma_semaphore, #tpu.memory_space<semaphore_mem>>)
      %dma_wait3A = arith.constant 0 : i32
      %dma_wait3A_52 = tpu.memref_slice %arg4[%add3A_25, %dma_wait3A] : memref<2512x128xi32, #tpu.memory_space<hbm>> -> memref<80x128xi32, #tpu.memory_space<hbm>>
      %dma_wait3A_53 = arith.constant 0 : i32
      %dma_wait3A_54 = tpu.memref_slice %arg4[%add3A_25, %dma_wait3A_53] : memref<2512x128xi32, #tpu.memory_space<hbm>> -> memref<80x128xi32, #tpu.memory_space<hbm>>
      tpu.wait_dma2 semaphore(%run_scoped3A : memref<!tpu.dma_semaphore, #tpu.memory_space<semaphore_mem>>) src(%dma_wait3A_54 : memref<80x128xi32, #tpu.memory_space<hbm>>) dst(%arg10 : memref<80x128xi32, #tpu.memory_space<vmem>>)
      tpu.yield
    }) : () -> ()
    %while3A = arith.constant 0 : i32
    %while3A_26 = arith.constant 0 : i32
    %while3A_27 = arith.subi %select_n3A, %while3A_26 : i32
    %while3A_28 = arith.addi %while3A_26, %while3A_27 : i32
    %while3A_29 = arith.constant 1 : i32
    %while3A_30 = arith.divsi %while3A_27, %while3A_29 : i32
    %while3A_31 = arith.muli %while3A_30, %while3A_29 : i32
    %while3A_32 = arith.addi %while3A_26, %while3A_31 : i32
    %while3A_33 = arith.constant 1 : i32
    scf.for %while3A_49 = %while3A_26 to %while3A_32 step %while3A_33  : i32 {
      %dma_start3A = arith.constant 0 : i32
      %dma_start3A_50 = tpu.memref_slice %arg9[%while3A_49, %dma_start3A] : memref<80x128xi32, #tpu.memory_space<vmem>> -> memref<1x128xi32, #tpu.memory_space<vmem>>
      %dma_start3A_51 = tpu.memref_squeeze %dma_start3A_50 : memref<1x128xi32, #tpu.memory_space<vmem>> -> memref<128xi32, #tpu.memory_space<vmem>>
      %dma_start3A_52 = arith.constant 0 : i32
      %dma_start3A_53 = arith.constant 0 : i32
      %dma_start3A_54 = tpu.memref_slice %arg2[%dma_start3A_52, %dma_start3A_53] : memref<10000x128xf32, #tpu.memory_space<hbm>> -> memref<10000x128xf32, #tpu.memory_space<hbm>>
      tpu.enqueue_indirect_dma source(%dma_start3A_54 : memref<10000x128xf32, #tpu.memory_space<hbm>>) target(%arg11 : memref<128x128xf32, #tpu.memory_space<vmem>>) offsets(%dma_start3A_51 : memref<128xi32, #tpu.memory_space<vmem>>) semaphore(%arg13 : memref<!tpu.dma_semaphore, #tpu.memory_space<semaphore_mem>>)
      %dma_wait3A = arith.constant 0 : i32
      %dma_wait3A_55 = tpu.memref_slice %arg9[%while3A_49, %dma_wait3A] : memref<80x128xi32, #tpu.memory_space<vmem>> -> memref<1x128xi32, #tpu.memory_space<vmem>>
      %dma_wait3A_56 = tpu.memref_squeeze %dma_wait3A_55 : memref<1x128xi32, #tpu.memory_space<vmem>> -> memref<128xi32, #tpu.memory_space<vmem>>
      %dma_wait3A_57 = arith.constant 0 : i32
      %dma_wait3A_58 = arith.constant 0 : i32
      %dma_wait3A_59 = tpu.memref_slice %arg2[%dma_wait3A_57, %dma_wait3A_58] : memref<10000x128xf32, #tpu.memory_space<hbm>> -> memref<10000x128xf32, #tpu.memory_space<hbm>>
      tpu.wait_indirect_dma semaphore(%arg13 : memref<!tpu.dma_semaphore, #tpu.memory_space<semaphore_mem>>) src(%dma_wait3A_59 : memref<10000x128xf32, #tpu.memory_space<hbm>>) dst(%arg11 : memref<128x128xf32, #tpu.memory_space<vmem>>)
      "tpu.region"() ({
        %run_scoped3A = tpu.sem_alloc : memref<!tpu.dma_semaphore, #tpu.memory_space<semaphore_mem>>
        %dma_start3A_60 = arith.constant 0 : i32
        %dma_start3A_61 = tpu.memref_slice %arg10[%while3A_49, %dma_start3A_60] : memref<80x128xi32, #tpu.memory_space<vmem>> -> memref<1x128xi32, #tpu.memory_space<vmem>>
        %dma_start3A_62 = tpu.memref_squeeze %dma_start3A_61 : memref<1x128xi32, #tpu.memory_space<vmem>> -> memref<128xi32, #tpu.memory_space<vmem>>
        %dma_start3A_63 = arith.constant 0 : i32
        %dma_start3A_64 = arith.constant 0 : i32
        %dma_start3A_65 = tpu.memref_slice %arg12[%dma_start3A_63, %dma_start3A_64] : memref<10016x128xf32, #tpu.memory_space<vmem_shared>> -> memref<10016x128xf32, #tpu.memory_space<vmem_shared>>
        tpu.enqueue_indirect_dma source(%arg11 : memref<128x128xf32, #tpu.memory_space<vmem>>) target(%dma_start3A_65 : memref<10016x128xf32, #tpu.memory_space<vmem_shared>>) offsets(%dma_start3A_62 : memref<128xi32, #tpu.memory_space<vmem>>) semaphore(%run_scoped3A : memref<!tpu.dma_semaphore, #tpu.memory_space<semaphore_mem>>) {add = true}
        %dma_wait3A_66 = arith.constant 0 : i32
        %dma_wait3A_67 = tpu.memref_slice %arg10[%while3A_49, %dma_wait3A_66] : memref<80x128xi32, #tpu.memory_space<vmem>> -> memref<1x128xi32, #tpu.memory_space<vmem>>
        %dma_wait3A_68 = tpu.memref_squeeze %dma_wait3A_67 : memref<1x128xi32, #tpu.memory_space<vmem>> -> memref<128xi32, #tpu.memory_space<vmem>>
        %dma_wait3A_69 = arith.constant 0 : i32
        %dma_wait3A_70 = arith.constant 0 : i32
        %dma_wait3A_71 = tpu.memref_slice %arg12[%dma_wait3A_69, %dma_wait3A_70] : memref<10016x128xf32, #tpu.memory_space<vmem_shared>> -> memref<10016x128xf32, #tpu.memory_space<vmem_shared>>
        tpu.wait_indirect_dma semaphore(%run_scoped3A : memref<!tpu.dma_semaphore, #tpu.memory_space<semaphore_mem>>) src(%arg11 : memref<128x128xf32, #tpu.memory_space<vmem>>) dst(%dma_wait3A_71 : memref<10016x128xf32, #tpu.memory_space<vmem_shared>>)
        tpu.yield
      }) : () -> ()
      "tpu.region"() ({
        %run_scoped3A = tpu.sem_alloc : memref<!tpu.dma_semaphore, #tpu.memory_space<semaphore_mem>>
        %dma_start3A_60 = arith.constant 0 : i32
        %dma_start3A_61 = tpu.memref_slice %arg10[%while3A_49, %dma_start3A_60] : memref<80x128xi32, #tpu.memory_space<vmem>> -> memref<1x128xi32, #tpu.memory_space<vmem>>
        %dma_start3A_62 = tpu.memref_squeeze %dma_start3A_61 : memref<1x128xi32, #tpu.memory_space<vmem>> -> memref<128xi32, #tpu.memory_space<vmem>>
        %dma_start3A_63 = arith.constant 0 : i32
        %dma_start3A_64 = tpu.memref_slice %arg16[%dma_start3A_63] : memref<10240xf32, #tpu.memory_space<vmem_shared>> -> memref<10240xf32, #tpu.memory_space<vmem_shared>>
        tpu.enqueue_indirect_dma source(%arg15 : memref<128xf32, #tpu.memory_space<vmem>>) target(%dma_start3A_64 : memref<10240xf32, #tpu.memory_space<vmem_shared>>) offsets(%dma_start3A_62 : memref<128xi32, #tpu.memory_space<vmem>>) semaphore(%run_scoped3A : memref<!tpu.dma_semaphore, #tpu.memory_space<semaphore_mem>>) {add = true}
        %dma_wait3A_65 = arith.constant 0 : i32
        %dma_wait3A_66 = tpu.memref_slice %arg10[%while3A_49, %dma_wait3A_65] : memref<80x128xi32, #tpu.memory_space<vmem>> -> memref<1x128xi32, #tpu.memory_space<vmem>>
        %dma_wait3A_67 = tpu.memref_squeeze %dma_wait3A_66 : memref<1x128xi32, #tpu.memory_space<vmem>> -> memref<128xi32, #tpu.memory_space<vmem>>
        %dma_wait3A_68 = arith.constant 0 : i32
        %dma_wait3A_69 = tpu.memref_slice %arg16[%dma_wait3A_68] : memref<10240xf32, #tpu.memory_space<vmem_shared>> -> memref<10240xf32, #tpu.memory_space<vmem_shared>>
        tpu.wait_indirect_dma semaphore(%run_scoped3A : memref<!tpu.dma_semaphore, #tpu.memory_space<semaphore_mem>>) src(%arg15 : memref<128xf32, #tpu.memory_space<vmem>>) dst(%dma_wait3A_69 : memref<10240xf32, #tpu.memory_space<vmem_shared>>)
        tpu.yield
      }) : () -> ()
    }
    %while3A_34 = arith.constant 1 : i32
    scf.for %while3A_49 = %while3A_32 to %while3A_28 step %while3A_34  : i32 {
      %dma_start3A = arith.constant 0 : i32
      %dma_start3A_50 = tpu.memref_slice %arg9[%while3A_49, %dma_start3A] : memref<80x128xi32, #tpu.memory_space<vmem>> -> memref<1x128xi32, #tpu.memory_space<vmem>>
      %dma_start3A_51 = tpu.memref_squeeze %dma_start3A_50 : memref<1x128xi32, #tpu.memory_space<vmem>> -> memref<128xi32, #tpu.memory_space<vmem>>
      %dma_start3A_52 = arith.constant 0 : i32
      %dma_start3A_53 = arith.constant 0 : i32
      %dma_start3A_54 = tpu.memref_slice %arg2[%dma_start3A_52, %dma_start3A_53] : memref<10000x128xf32, #tpu.memory_space<hbm>> -> memref<10000x128xf32, #tpu.memory_space<hbm>>
      tpu.enqueue_indirect_dma source(%dma_start3A_54 : memref<10000x128xf32, #tpu.memory_space<hbm>>) target(%arg11 : memref<128x128xf32, #tpu.memory_space<vmem>>) offsets(%dma_start3A_51 : memref<128xi32, #tpu.memory_space<vmem>>) semaphore(%arg13 : memref<!tpu.dma_semaphore, #tpu.memory_space<semaphore_mem>>)
      %dma_wait3A = arith.constant 0 : i32
      %dma_wait3A_55 = tpu.memref_slice %arg9[%while3A_49, %dma_wait3A] : memref<80x128xi32, #tpu.memory_space<vmem>> -> memref<1x128xi32, #tpu.memory_space<vmem>>
      %dma_wait3A_56 = tpu.memref_squeeze %dma_wait3A_55 : memref<1x128xi32, #tpu.memory_space<vmem>> -> memref<128xi32, #tpu.memory_space<vmem>>
      %dma_wait3A_57 = arith.constant 0 : i32
      %dma_wait3A_58 = arith.constant 0 : i32
      %dma_wait3A_59 = tpu.memref_slice %arg2[%dma_wait3A_57, %dma_wait3A_58] : memref<10000x128xf32, #tpu.memory_space<hbm>> -> memref<10000x128xf32, #tpu.memory_space<hbm>>
      tpu.wait_indirect_dma semaphore(%arg13 : memref<!tpu.dma_semaphore, #tpu.memory_space<semaphore_mem>>) src(%dma_wait3A_59 : memref<10000x128xf32, #tpu.memory_space<hbm>>) dst(%arg11 : memref<128x128xf32, #tpu.memory_space<vmem>>)
      "tpu.region"() ({
        %run_scoped3A = tpu.sem_alloc : memref<!tpu.dma_semaphore, #tpu.memory_space<semaphore_mem>>
        %dma_start3A_60 = arith.constant 0 : i32
        %dma_start3A_61 = tpu.memref_slice %arg10[%while3A_49, %dma_start3A_60] : memref<80x128xi32, #tpu.memory_space<vmem>> -> memref<1x128xi32, #tpu.memory_space<vmem>>
        %dma_start3A_62 = tpu.memref_squeeze %dma_start3A_61 : memref<1x128xi32, #tpu.memory_space<vmem>> -> memref<128xi32, #tpu.memory_space<vmem>>
        %dma_start3A_63 = arith.constant 0 : i32
        %dma_start3A_64 = arith.constant 0 : i32
        %dma_start3A_65 = tpu.memref_slice %arg12[%dma_start3A_63, %dma_start3A_64] : memref<10016x128xf32, #tpu.memory_space<vmem_shared>> -> memref<10016x128xf32, #tpu.memory_space<vmem_shared>>
        tpu.enqueue_indirect_dma source(%arg11 : memref<128x128xf32, #tpu.memory_space<vmem>>) target(%dma_start3A_65 : memref<10016x128xf32, #tpu.memory_space<vmem_shared>>) offsets(%dma_start3A_62 : memref<128xi32, #tpu.memory_space<vmem>>) semaphore(%run_scoped3A : memref<!tpu.dma_semaphore, #tpu.memory_space<semaphore_mem>>) {add = true}
        %dma_wait3A_66 = arith.constant 0 : i32
        %dma_wait3A_67 = tpu.memref_slice %arg10[%while3A_49, %dma_wait3A_66] : memref<80x128xi32, #tpu.memory_space<vmem>> -> memref<1x128xi32, #tpu.memory_space<vmem>>
        %dma_wait3A_68 = tpu.memref_squeeze %dma_wait3A_67 : memref<1x128xi32, #tpu.memory_space<vmem>> -> memref<128xi32, #tpu.memory_space<vmem>>
        %dma_wait3A_69 = arith.constant 0 : i32
        %dma_wait3A_70 = arith.constant 0 : i32
        %dma_wait3A_71 = tpu.memref_slice %arg12[%dma_wait3A_69, %dma_wait3A_70] : memref<10016x128xf32, #tpu.memory_space<vmem_shared>> -> memref<10016x128xf32, #tpu.memory_space<vmem_shared>>
        tpu.wait_indirect_dma semaphore(%run_scoped3A : memref<!tpu.dma_semaphore, #tpu.memory_space<semaphore_mem>>) src(%arg11 : memref<128x128xf32, #tpu.memory_space<vmem>>) dst(%dma_wait3A_71 : memref<10016x128xf32, #tpu.memory_space<vmem_shared>>)
        tpu.yield
      }) : () -> ()
      "tpu.region"() ({
        %run_scoped3A = tpu.sem_alloc : memref<!tpu.dma_semaphore, #tpu.memory_space<semaphore_mem>>
        %dma_start3A_60 = arith.constant 0 : i32
        %dma_start3A_61 = tpu.memref_slice %arg10[%while3A_49, %dma_start3A_60] : memref<80x128xi32, #tpu.memory_space<vmem>> -> memref<1x128xi32, #tpu.memory_space<vmem>>
        %dma_start3A_62 = tpu.memref_squeeze %dma_start3A_61 : memref<1x128xi32, #tpu.memory_space<vmem>> -> memref<128xi32, #tpu.memory_space<vmem>>
        %dma_start3A_63 = arith.constant 0 : i32
        %dma_start3A_64 = tpu.memref_slice %arg16[%dma_start3A_63] : memref<10240xf32, #tpu.memory_space<vmem_shared>> -> memref<10240xf32, #tpu.memory_space<vmem_shared>>
        tpu.enqueue_indirect_dma source(%arg15 : memref<128xf32, #tpu.memory_space<vmem>>) target(%dma_start3A_64 : memref<10240xf32, #tpu.memory_space<vmem_shared>>) offsets(%dma_start3A_62 : memref<128xi32, #tpu.memory_space<vmem>>) semaphore(%run_scoped3A : memref<!tpu.dma_semaphore, #tpu.memory_space<semaphore_mem>>) {add = true}
        %dma_wait3A_65 = arith.constant 0 : i32
        %dma_wait3A_66 = tpu.memref_slice %arg10[%while3A_49, %dma_wait3A_65] : memref<80x128xi32, #tpu.memory_space<vmem>> -> memref<1x128xi32, #tpu.memory_space<vmem>>
        %dma_wait3A_67 = tpu.memref_squeeze %dma_wait3A_66 : memref<1x128xi32, #tpu.memory_space<vmem>> -> memref<128xi32, #tpu.memory_space<vmem>>
        %dma_wait3A_68 = arith.constant 0 : i32
        %dma_wait3A_69 = tpu.memref_slice %arg16[%dma_wait3A_68] : memref<10240xf32, #tpu.memory_space<vmem_shared>> -> memref<10240xf32, #tpu.memory_space<vmem_shared>>
        tpu.wait_indirect_dma semaphore(%run_scoped3A : memref<!tpu.dma_semaphore, #tpu.memory_space<semaphore_mem>>) src(%arg15 : memref<128xf32, #tpu.memory_space<vmem>>) dst(%dma_wait3A_69 : memref<10240xf32, #tpu.memory_space<vmem_shared>>)
        tpu.yield
      }) : () -> ()
    }
    %barrier3A_35 = arith.constant 0 : index
    tpu.barrier barrier_id(%barrier3A_35)
    %mul3A_36 = arith.constant 624 : i32
    %mul3A_37 = arith.muli %arg1, %mul3A_36 : i32
    %mul3A_38 = arith.constant 624 : i32
    %mul3A_39 = arith.muli %arg1, %mul3A_38 : i32
    "tpu.region"() ({
      %run_scoped3A = tpu.sem_alloc : memref<!tpu.dma_semaphore, #tpu.memory_space<semaphore_mem>>
      %dma_start3A = arith.constant 0 : i32
      %dma_start3A_49 = tpu.memref_slice %arg7[%arg0, %mul3A_39, %dma_start3A] : memref<2x10000x128xf32, #tpu.memory_space<hbm>> -> memref<1x624x128xf32, #tpu.memory_space<hbm>>
      %dma_start3A_50 = tpu.memref_squeeze %dma_start3A_49 : memref<1x624x128xf32, #tpu.memory_space<hbm>> -> memref<624x128xf32, #tpu.memory_space<hbm>>
      %dma_start3A_51 = arith.constant 0 : i32
      %dma_start3A_52 = tpu.memref_slice %arg12[%mul3A_37, %dma_start3A_51] : memref<10016x128xf32, #tpu.memory_space<vmem_shared>> -> memref<624x128xf32, #tpu.memory_space<vmem_shared>>
      tpu.enqueue_dma source(%dma_start3A_52 : memref<624x128xf32, #tpu.memory_space<vmem_shared>>) target(%dma_start3A_50 : memref<624x128xf32, #tpu.memory_space<hbm>>) target_semaphore(%run_scoped3A : memref<!tpu.dma_semaphore, #tpu.memory_space<semaphore_mem>>)
      %dma_wait3A = arith.constant 0 : i32
      %dma_wait3A_53 = tpu.memref_slice %arg7[%arg0, %mul3A_39, %dma_wait3A] : memref<2x10000x128xf32, #tpu.memory_space<hbm>> -> memref<1x624x128xf32, #tpu.memory_space<hbm>>
      %dma_wait3A_54 = tpu.memref_squeeze %dma_wait3A_53 : memref<1x624x128xf32, #tpu.memory_space<hbm>> -> memref<624x128xf32, #tpu.memory_space<hbm>>
      %dma_wait3A_55 = arith.constant 0 : i32
      %dma_wait3A_56 = tpu.memref_slice %arg12[%mul3A_37, %dma_wait3A_55] : memref<10016x128xf32, #tpu.memory_space<vmem_shared>> -> memref<624x128xf32, #tpu.memory_space<vmem_shared>>
      tpu.wait_dma2 semaphore(%run_scoped3A : memref<!tpu.dma_semaphore, #tpu.memory_space<semaphore_mem>>) src(%dma_wait3A_56 : memref<624x128xf32, #tpu.memory_space<vmem_shared>>) dst(%dma_wait3A_54 : memref<624x128xf32, #tpu.memory_space<hbm>>)
      tpu.yield
    }) : () -> ()
    %eq3A_40 = arith.constant 0 : i32
    %eq3A_41 = arith.cmpi eq, %arg1, %eq3A_40 : i32
    %convert_element_type3A_42 = arith.extui %eq3A_41 : i1 to i32
    %cond3A_43 = arith.constant 0 : i32
    %cond3A_44 = arith.cmpi ne, %convert_element_type3A_42, %cond3A_43 : i32
    scf.if %cond3A_44 {
      "tpu.region"() ({
        %run_scoped3A = tpu.sem_alloc : memref<!tpu.dma_semaphore, #tpu.memory_space<semaphore_mem>>
        %dma_start3A = arith.constant 9984 : i32
        %dma_start3A_49 = arith.constant 0 : i32
        %dma_start3A_50 = tpu.memref_slice %arg7[%arg0, %dma_start3A, %dma_start3A_49] : memref<2x10000x128xf32, #tpu.memory_space<hbm>> -> memref<1x16x128xf32, #tpu.memory_space<hbm>>
        %dma_start3A_51 = tpu.memref_squeeze %dma_start3A_50 : memref<1x16x128xf32, #tpu.memory_space<hbm>> -> memref<16x128xf32, #tpu.memory_space<hbm>>
        %dma_start3A_52 = arith.constant 9984 : i32
        %dma_start3A_53 = arith.constant 0 : i32
        %dma_start3A_54 = tpu.memref_slice %arg12[%dma_start3A_52, %dma_start3A_53] : memref<10016x128xf32, #tpu.memory_space<vmem_shared>> -> memref<16x128xf32, #tpu.memory_space<vmem_shared>>
        tpu.enqueue_dma source(%dma_start3A_54 : memref<16x128xf32, #tpu.memory_space<vmem_shared>>) target(%dma_start3A_51 : memref<16x128xf32, #tpu.memory_space<hbm>>) target_semaphore(%run_scoped3A : memref<!tpu.dma_semaphore, #tpu.memory_space<semaphore_mem>>)
        %dma_wait3A = arith.constant 9984 : i32
        %dma_wait3A_55 = arith.constant 0 : i32
        %dma_wait3A_56 = tpu.memref_slice %arg7[%arg0, %dma_wait3A, %dma_wait3A_55] : memref<2x10000x128xf32, #tpu.memory_space<hbm>> -> memref<1x16x128xf32, #tpu.memory_space<hbm>>
        %dma_wait3A_57 = tpu.memref_squeeze %dma_wait3A_56 : memref<1x16x128xf32, #tpu.memory_space<hbm>> -> memref<16x128xf32, #tpu.memory_space<hbm>>
        %dma_wait3A_58 = arith.constant 9984 : i32
        %dma_wait3A_59 = arith.constant 0 : i32
        %dma_wait3A_60 = tpu.memref_slice %arg12[%dma_wait3A_58, %dma_wait3A_59] : memref<10016x128xf32, #tpu.memory_space<vmem_shared>> -> memref<16x128xf32, #tpu.memory_space<vmem_shared>>
        tpu.wait_dma2 semaphore(%run_scoped3A : memref<!tpu.dma_semaphore, #tpu.memory_space<semaphore_mem>>) src(%dma_wait3A_60 : memref<16x128xf32, #tpu.memory_space<vmem_shared>>) dst(%dma_wait3A_57 : memref<16x128xf32, #tpu.memory_space<hbm>>)
        tpu.yield
      }) : () -> ()
    } else {
    }
    %mul3A_45 = arith.constant 640 : i32
    %mul3A_46 = arith.muli %arg1, %mul3A_45 : i32
    %mul3A_47 = arith.constant 640 : i32
    %mul3A_48 = arith.muli %arg1, %mul3A_47 : i32
    "tpu.region"() ({
      %run_scoped3A = tpu.sem_alloc : memref<!tpu.dma_semaphore, #tpu.memory_space<semaphore_mem>>
      %dma_start3A = tpu.memref_slice %arg8[%arg0, %mul3A_48] : memref<2x10240xf32, #tpu.memory_space<hbm>> -> memref<1x640xf32, #tpu.memory_space<hbm>>
      %dma_start3A_49 = tpu.memref_squeeze %dma_start3A : memref<1x640xf32, #tpu.memory_space<hbm>> -> memref<640xf32, #tpu.memory_space<hbm>>
      %dma_start3A_50 = tpu.memref_slice %arg16[%mul3A_46] : memref<10240xf32, #tpu.memory_space<vmem_shared>> -> memref<640xf32, #tpu.memory_space<vmem_shared>>
      tpu.enqueue_dma source(%dma_start3A_50 : memref<640xf32, #tpu.memory_space<vmem_shared>>) target(%dma_start3A_49 : memref<640xf32, #tpu.memory_space<hbm>>) target_semaphore(%run_scoped3A : memref<!tpu.dma_semaphore, #tpu.memory_space<semaphore_mem>>)
      %dma_wait3A = tpu.memref_slice %arg8[%arg0, %mul3A_48] : memref<2x10240xf32, #tpu.memory_space<hbm>> -> memref<1x640xf32, #tpu.memory_space<hbm>>
      %dma_wait3A_51 = tpu.memref_squeeze %dma_wait3A : memref<1x640xf32, #tpu.memory_space<hbm>> -> memref<640xf32, #tpu.memory_space<hbm>>
      %dma_wait3A_52 = tpu.memref_slice %arg16[%mul3A_46] : memref<10240xf32, #tpu.memory_space<vmem_shared>> -> memref<640xf32, #tpu.memory_space<vmem_shared>>
      tpu.wait_dma2 semaphore(%run_scoped3A : memref<!tpu.dma_semaphore, #tpu.memory_space<semaphore_mem>>) src(%dma_wait3A_52 : memref<640xf32, #tpu.memory_space<vmem_shared>>) dst(%dma_wait3A_51 : memref<640xf32, #tpu.memory_space<hbm>>)
      tpu.yield
    }) : () -> ()
    return
  }
}

#map = affine_map<(d0, d1) -> (0, 0)>
#map1 = affine_map<(d0, d1) -> (0)>
#map2 = affine_map<(d0, d1) -> (0, 0, 0)>
module attributes {stable_mosaic.version = 14 : i64} {
  func.func @body(%arg0: i32, %arg1: i32, %arg2: memref<10000x128xf32, #tpu.memory_space<hbm>>, %arg3: memref<2512x128xi32, #tpu.memory_space<hbm>>, %arg4: memref<2512x128xi32, #tpu.memory_space<hbm>>, %arg5: memref<10016x128xf32, #tpu.memory_space<hbm>>, %arg6: memref<10240xf32, #tpu.memory_space<hbm>>, %arg7: memref<2x10000x128xf32, #tpu.memory_space<hbm>>, %arg8: memref<80x128xi32, #tpu.memory_space<vmem>>, %arg9: memref<80x128xi32, #tpu.memory_space<vmem>>, %arg10: memref<128x128xf32, #tpu.memory_space<vmem>>, %arg11: memref<10016x128xf32, #tpu.memory_space<vmem_shared>>, %arg12: memref<!tpu.dma_semaphore, #tpu.memory_space<semaphore_mem>>, %arg13: memref<!tpu.dma_semaphore, #tpu.memory_space<semaphore_mem>>) attributes {dimension_semantics = [#tpu.dimension_semantics<core_parallel>, #tpu.dimension_semantics<subcore_parallel>], iteration_bounds = array<i64: 2, 16>, scalar_prefetch = 0 : i64, scratch_operands = 6 : i64, tpu.core_type = #tpu.core_type<sc_vector_subcore>, window_params = [{transform_indices = #map}, {transform_indices = #map}, {transform_indices = #map}, {transform_indices = #map}, {transform_indices = #map1}, {transform_indices = #map2}]} {
    %mul3A = arith.constant 16 : i32
    %mul3A_0 = arith.muli %arg0, %mul3A : i32
    %add3A = arith.addi %mul3A_0, %arg1 : i32
    %mul3A_1 = arith.constant 624 : i32
    %mul3A_2 = arith.muli %arg1, %mul3A_1 : i32
    %mul3A_3 = arith.constant 624 : i32
    %mul3A_4 = arith.muli %arg1, %mul3A_3 : i32
    "tpu.region"() ({
      %run_scoped3A = tpu.sem_alloc : memref<!tpu.dma_semaphore, #tpu.memory_space<semaphore_mem>>
      %dma_start3A = arith.constant 0 : i32
      %dma_start3A_36 = tpu.memref_slice %arg11[%mul3A_4, %dma_start3A] : memref<10016x128xf32, #tpu.memory_space<vmem_shared>> -> memref<624x128xf32, #tpu.memory_space<vmem_shared>>
      %dma_start3A_37 = arith.constant 0 : i32
      %dma_start3A_38 = tpu.memref_slice %arg5[%mul3A_2, %dma_start3A_37] : memref<10016x128xf32, #tpu.memory_space<hbm>> -> memref<624x128xf32, #tpu.memory_space<hbm>>
      tpu.enqueue_dma source(%dma_start3A_38 : memref<624x128xf32, #tpu.memory_space<hbm>>) target(%dma_start3A_36 : memref<624x128xf32, #tpu.memory_space<vmem_shared>>) target_semaphore(%run_scoped3A : memref<!tpu.dma_semaphore, #tpu.memory_space<semaphore_mem>>)
      %dma_wait3A = arith.constant 0 : i32
      %dma_wait3A_39 = tpu.memref_slice %arg11[%mul3A_4, %dma_wait3A] : memref<10016x128xf32, #tpu.memory_space<vmem_shared>> -> memref<624x128xf32, #tpu.memory_space<vmem_shared>>
      %dma_wait3A_40 = arith.constant 0 : i32
      %dma_wait3A_41 = tpu.memref_slice %arg5[%mul3A_2, %dma_wait3A_40] : memref<10016x128xf32, #tpu.memory_space<hbm>> -> memref<624x128xf32, #tpu.memory_space<hbm>>
      tpu.wait_dma2 semaphore(%run_scoped3A : memref<!tpu.dma_semaphore, #tpu.memory_space<semaphore_mem>>) src(%dma_wait3A_41 : memref<624x128xf32, #tpu.memory_space<hbm>>) dst(%dma_wait3A_39 : memref<624x128xf32, #tpu.memory_space<vmem_shared>>)
      tpu.yield
    }) : () -> ()
    %eq3A = arith.constant 0 : i32
    %eq3A_5 = arith.cmpi eq, %arg1, %eq3A : i32
    %convert_element_type3A = arith.extui %eq3A_5 : i1 to i32
    %cond3A = arith.constant 0 : i32
    %cond3A_6 = arith.cmpi ne, %convert_element_type3A, %cond3A : i32
    scf.if %cond3A_6 {
      "tpu.region"() ({
        %run_scoped3A = tpu.sem_alloc : memref<!tpu.dma_semaphore, #tpu.memory_space<semaphore_mem>>
        %dma_start3A = arith.constant 9984 : i32
        %dma_start3A_36 = arith.constant 0 : i32
        %dma_start3A_37 = tpu.memref_slice %arg11[%dma_start3A, %dma_start3A_36] : memref<10016x128xf32, #tpu.memory_space<vmem_shared>> -> memref<32x128xf32, #tpu.memory_space<vmem_shared>>
        %dma_start3A_38 = arith.constant 9984 : i32
        %dma_start3A_39 = arith.constant 0 : i32
        %dma_start3A_40 = tpu.memref_slice %arg5[%dma_start3A_38, %dma_start3A_39] : memref<10016x128xf32, #tpu.memory_space<hbm>> -> memref<32x128xf32, #tpu.memory_space<hbm>>
        tpu.enqueue_dma source(%dma_start3A_40 : memref<32x128xf32, #tpu.memory_space<hbm>>) target(%dma_start3A_37 : memref<32x128xf32, #tpu.memory_space<vmem_shared>>) target_semaphore(%run_scoped3A : memref<!tpu.dma_semaphore, #tpu.memory_space<semaphore_mem>>)
        %dma_wait3A = arith.constant 9984 : i32
        %dma_wait3A_41 = arith.constant 0 : i32
        %dma_wait3A_42 = tpu.memref_slice %arg11[%dma_wait3A, %dma_wait3A_41] : memref<10016x128xf32, #tpu.memory_space<vmem_shared>> -> memref<32x128xf32, #tpu.memory_space<vmem_shared>>
        %dma_wait3A_43 = arith.constant 9984 : i32
        %dma_wait3A_44 = arith.constant 0 : i32
        %dma_wait3A_45 = tpu.memref_slice %arg5[%dma_wait3A_43, %dma_wait3A_44] : memref<10016x128xf32, #tpu.memory_space<hbm>> -> memref<32x128xf32, #tpu.memory_space<hbm>>
        tpu.wait_dma2 semaphore(%run_scoped3A : memref<!tpu.dma_semaphore, #tpu.memory_space<semaphore_mem>>) src(%dma_wait3A_45 : memref<32x128xf32, #tpu.memory_space<hbm>>) dst(%dma_wait3A_42 : memref<32x128xf32, #tpu.memory_space<vmem_shared>>)
        tpu.yield
      }) : () -> ()
    } else {
    }
    %barrier3A = arith.constant 0 : index
    tpu.barrier barrier_id(%barrier3A)
    %lt3A = arith.constant 25 : i32
    %lt3A_7 = arith.cmpi slt, %add3A, %lt3A : i32
    %jit3A = arith.constant 80 : i32
    %jit3A_8 = arith.constant 72 : i32
    %select_n3A = arith.select %lt3A_7, %jit3A, %jit3A_8 : i32
    %min3A = arith.constant 25 : i32
    %min3A_9 = arith.minsi %add3A, %min3A : i32
    %mul3A_10 = arith.constant 80 : i32
    %mul3A_11 = arith.muli %min3A_9, %mul3A_10 : i32
    %sub3A = arith.constant 25 : i32
    %sub3A_12 = arith.subi %add3A, %sub3A : i32
    %max3A = arith.constant 0 : i32
    %max3A_13 = arith.maxsi %sub3A_12, %max3A : i32
    %mul3A_14 = arith.constant 72 : i32
    %mul3A_15 = arith.muli %max3A_13, %mul3A_14 : i32
    %add3A_16 = arith.addi %mul3A_11, %mul3A_15 : i32
    "tpu.region"() ({
      %run_scoped3A = tpu.sem_alloc : memref<!tpu.dma_semaphore, #tpu.memory_space<semaphore_mem>>
      %dma_start3A = arith.constant 0 : i32
      %dma_start3A_36 = tpu.memref_slice %arg3[%add3A_16, %dma_start3A] : memref<2512x128xi32, #tpu.memory_space<hbm>> -> memref<80x128xi32, #tpu.memory_space<hbm>>
      %dma_start3A_37 = arith.constant 0 : i32
      %dma_start3A_38 = tpu.memref_slice %arg3[%add3A_16, %dma_start3A_37] : memref<2512x128xi32, #tpu.memory_space<hbm>> -> memref<80x128xi32, #tpu.memory_space<hbm>>
      tpu.enqueue_dma source(%dma_start3A_38 : memref<80x128xi32, #tpu.memory_space<hbm>>) target(%arg8 : memref<80x128xi32, #tpu.memory_space<vmem>>) target_semaphore(%run_scoped3A : memref<!tpu.dma_semaphore, #tpu.memory_space<semaphore_mem>>)
      %dma_wait3A = arith.constant 0 : i32
      %dma_wait3A_39 = tpu.memref_slice %arg3[%add3A_16, %dma_wait3A] : memref<2512x128xi32, #tpu.memory_space<hbm>> -> memref<80x128xi32, #tpu.memory_space<hbm>>
      %dma_wait3A_40 = arith.constant 0 : i32
      %dma_wait3A_41 = tpu.memref_slice %arg3[%add3A_16, %dma_wait3A_40] : memref<2512x128xi32, #tpu.memory_space<hbm>> -> memref<80x128xi32, #tpu.memory_space<hbm>>
      tpu.wait_dma2 semaphore(%run_scoped3A : memref<!tpu.dma_semaphore, #tpu.memory_space<semaphore_mem>>) src(%dma_wait3A_41 : memref<80x128xi32, #tpu.memory_space<hbm>>) dst(%arg8 : memref<80x128xi32, #tpu.memory_space<vmem>>)
      tpu.yield
    }) : () -> ()
    "tpu.region"() ({
      %run_scoped3A = tpu.sem_alloc : memref<!tpu.dma_semaphore, #tpu.memory_space<semaphore_mem>>
      %dma_start3A = arith.constant 0 : i32
      %dma_start3A_36 = tpu.memref_slice %arg4[%add3A_16, %dma_start3A] : memref<2512x128xi32, #tpu.memory_space<hbm>> -> memref<80x128xi32, #tpu.memory_space<hbm>>
      %dma_start3A_37 = arith.constant 0 : i32
      %dma_start3A_38 = tpu.memref_slice %arg4[%add3A_16, %dma_start3A_37] : memref<2512x128xi32, #tpu.memory_space<hbm>> -> memref<80x128xi32, #tpu.memory_space<hbm>>
      tpu.enqueue_dma source(%dma_start3A_38 : memref<80x128xi32, #tpu.memory_space<hbm>>) target(%arg9 : memref<80x128xi32, #tpu.memory_space<vmem>>) target_semaphore(%run_scoped3A : memref<!tpu.dma_semaphore, #tpu.memory_space<semaphore_mem>>)
      %dma_wait3A = arith.constant 0 : i32
      %dma_wait3A_39 = tpu.memref_slice %arg4[%add3A_16, %dma_wait3A] : memref<2512x128xi32, #tpu.memory_space<hbm>> -> memref<80x128xi32, #tpu.memory_space<hbm>>
      %dma_wait3A_40 = arith.constant 0 : i32
      %dma_wait3A_41 = tpu.memref_slice %arg4[%add3A_16, %dma_wait3A_40] : memref<2512x128xi32, #tpu.memory_space<hbm>> -> memref<80x128xi32, #tpu.memory_space<hbm>>
      tpu.wait_dma2 semaphore(%run_scoped3A : memref<!tpu.dma_semaphore, #tpu.memory_space<semaphore_mem>>) src(%dma_wait3A_41 : memref<80x128xi32, #tpu.memory_space<hbm>>) dst(%arg9 : memref<80x128xi32, #tpu.memory_space<vmem>>)
      tpu.yield
    }) : () -> ()
    %while3A = arith.constant 0 : i32
    %while3A_17 = arith.constant 0 : i32
    %while3A_18 = arith.subi %select_n3A, %while3A_17 : i32
    %while3A_19 = arith.addi %while3A_17, %while3A_18 : i32
    %while3A_20 = arith.constant 1 : i32
    %while3A_21 = arith.divsi %while3A_18, %while3A_20 : i32
    %while3A_22 = arith.muli %while3A_21, %while3A_20 : i32
    %while3A_23 = arith.addi %while3A_17, %while3A_22 : i32
    %while3A_24 = arith.constant 1 : i32
    scf.for %while3A_36 = %while3A_17 to %while3A_23 step %while3A_24  : i32 {
      %dma_start3A = arith.constant 0 : i32
      %dma_start3A_37 = tpu.memref_slice %arg8[%while3A_36, %dma_start3A] : memref<80x128xi32, #tpu.memory_space<vmem>> -> memref<1x128xi32, #tpu.memory_space<vmem>>
      %dma_start3A_38 = tpu.memref_squeeze %dma_start3A_37 : memref<1x128xi32, #tpu.memory_space<vmem>> -> memref<128xi32, #tpu.memory_space<vmem>>
      %dma_start3A_39 = arith.constant 0 : i32
      %dma_start3A_40 = arith.constant 0 : i32
      %dma_start3A_41 = tpu.memref_slice %arg2[%dma_start3A_39, %dma_start3A_40] : memref<10000x128xf32, #tpu.memory_space<hbm>> -> memref<10000x128xf32, #tpu.memory_space<hbm>>
      tpu.enqueue_indirect_dma source(%dma_start3A_41 : memref<10000x128xf32, #tpu.memory_space<hbm>>) target(%arg10 : memref<128x128xf32, #tpu.memory_space<vmem>>) offsets(%dma_start3A_38 : memref<128xi32, #tpu.memory_space<vmem>>) semaphore(%arg12 : memref<!tpu.dma_semaphore, #tpu.memory_space<semaphore_mem>>)
      %dma_wait3A = arith.constant 0 : i32
      %dma_wait3A_42 = tpu.memref_slice %arg8[%while3A_36, %dma_wait3A] : memref<80x128xi32, #tpu.memory_space<vmem>> -> memref<1x128xi32, #tpu.memory_space<vmem>>
      %dma_wait3A_43 = tpu.memref_squeeze %dma_wait3A_42 : memref<1x128xi32, #tpu.memory_space<vmem>> -> memref<128xi32, #tpu.memory_space<vmem>>
      %dma_wait3A_44 = arith.constant 0 : i32
      %dma_wait3A_45 = arith.constant 0 : i32
      %dma_wait3A_46 = tpu.memref_slice %arg2[%dma_wait3A_44, %dma_wait3A_45] : memref<10000x128xf32, #tpu.memory_space<hbm>> -> memref<10000x128xf32, #tpu.memory_space<hbm>>
      tpu.wait_indirect_dma semaphore(%arg12 : memref<!tpu.dma_semaphore, #tpu.memory_space<semaphore_mem>>) src(%dma_wait3A_46 : memref<10000x128xf32, #tpu.memory_space<hbm>>) dst(%arg10 : memref<128x128xf32, #tpu.memory_space<vmem>>)
      "tpu.region"() ({
        %run_scoped3A = tpu.sem_alloc : memref<!tpu.dma_semaphore, #tpu.memory_space<semaphore_mem>>
        %dma_start3A_47 = arith.constant 0 : i32
        %dma_start3A_48 = tpu.memref_slice %arg9[%while3A_36, %dma_start3A_47] : memref<80x128xi32, #tpu.memory_space<vmem>> -> memref<1x128xi32, #tpu.memory_space<vmem>>
        %dma_start3A_49 = tpu.memref_squeeze %dma_start3A_48 : memref<1x128xi32, #tpu.memory_space<vmem>> -> memref<128xi32, #tpu.memory_space<vmem>>
        %dma_start3A_50 = arith.constant 0 : i32
        %dma_start3A_51 = arith.constant 0 : i32
        %dma_start3A_52 = tpu.memref_slice %arg11[%dma_start3A_50, %dma_start3A_51] : memref<10016x128xf32, #tpu.memory_space<vmem_shared>> -> memref<10016x128xf32, #tpu.memory_space<vmem_shared>>
        tpu.enqueue_indirect_dma source(%arg10 : memref<128x128xf32, #tpu.memory_space<vmem>>) target(%dma_start3A_52 : memref<10016x128xf32, #tpu.memory_space<vmem_shared>>) offsets(%dma_start3A_49 : memref<128xi32, #tpu.memory_space<vmem>>) semaphore(%run_scoped3A : memref<!tpu.dma_semaphore, #tpu.memory_space<semaphore_mem>>) {add = true}
        %dma_wait3A_53 = arith.constant 0 : i32
        %dma_wait3A_54 = tpu.memref_slice %arg9[%while3A_36, %dma_wait3A_53] : memref<80x128xi32, #tpu.memory_space<vmem>> -> memref<1x128xi32, #tpu.memory_space<vmem>>
        %dma_wait3A_55 = tpu.memref_squeeze %dma_wait3A_54 : memref<1x128xi32, #tpu.memory_space<vmem>> -> memref<128xi32, #tpu.memory_space<vmem>>
        %dma_wait3A_56 = arith.constant 0 : i32
        %dma_wait3A_57 = arith.constant 0 : i32
        %dma_wait3A_58 = tpu.memref_slice %arg11[%dma_wait3A_56, %dma_wait3A_57] : memref<10016x128xf32, #tpu.memory_space<vmem_shared>> -> memref<10016x128xf32, #tpu.memory_space<vmem_shared>>
        tpu.wait_indirect_dma semaphore(%run_scoped3A : memref<!tpu.dma_semaphore, #tpu.memory_space<semaphore_mem>>) src(%arg10 : memref<128x128xf32, #tpu.memory_space<vmem>>) dst(%dma_wait3A_58 : memref<10016x128xf32, #tpu.memory_space<vmem_shared>>)
        tpu.yield
      }) : () -> ()
    }
    %while3A_25 = arith.constant 1 : i32
    scf.for %while3A_36 = %while3A_23 to %while3A_19 step %while3A_25  : i32 {
      %dma_start3A = arith.constant 0 : i32
      %dma_start3A_37 = tpu.memref_slice %arg8[%while3A_36, %dma_start3A] : memref<80x128xi32, #tpu.memory_space<vmem>> -> memref<1x128xi32, #tpu.memory_space<vmem>>
      %dma_start3A_38 = tpu.memref_squeeze %dma_start3A_37 : memref<1x128xi32, #tpu.memory_space<vmem>> -> memref<128xi32, #tpu.memory_space<vmem>>
      %dma_start3A_39 = arith.constant 0 : i32
      %dma_start3A_40 = arith.constant 0 : i32
      %dma_start3A_41 = tpu.memref_slice %arg2[%dma_start3A_39, %dma_start3A_40] : memref<10000x128xf32, #tpu.memory_space<hbm>> -> memref<10000x128xf32, #tpu.memory_space<hbm>>
      tpu.enqueue_indirect_dma source(%dma_start3A_41 : memref<10000x128xf32, #tpu.memory_space<hbm>>) target(%arg10 : memref<128x128xf32, #tpu.memory_space<vmem>>) offsets(%dma_start3A_38 : memref<128xi32, #tpu.memory_space<vmem>>) semaphore(%arg12 : memref<!tpu.dma_semaphore, #tpu.memory_space<semaphore_mem>>)
      %dma_wait3A = arith.constant 0 : i32
      %dma_wait3A_42 = tpu.memref_slice %arg8[%while3A_36, %dma_wait3A] : memref<80x128xi32, #tpu.memory_space<vmem>> -> memref<1x128xi32, #tpu.memory_space<vmem>>
      %dma_wait3A_43 = tpu.memref_squeeze %dma_wait3A_42 : memref<1x128xi32, #tpu.memory_space<vmem>> -> memref<128xi32, #tpu.memory_space<vmem>>
      %dma_wait3A_44 = arith.constant 0 : i32
      %dma_wait3A_45 = arith.constant 0 : i32
      %dma_wait3A_46 = tpu.memref_slice %arg2[%dma_wait3A_44, %dma_wait3A_45] : memref<10000x128xf32, #tpu.memory_space<hbm>> -> memref<10000x128xf32, #tpu.memory_space<hbm>>
      tpu.wait_indirect_dma semaphore(%arg12 : memref<!tpu.dma_semaphore, #tpu.memory_space<semaphore_mem>>) src(%dma_wait3A_46 : memref<10000x128xf32, #tpu.memory_space<hbm>>) dst(%arg10 : memref<128x128xf32, #tpu.memory_space<vmem>>)
      "tpu.region"() ({
        %run_scoped3A = tpu.sem_alloc : memref<!tpu.dma_semaphore, #tpu.memory_space<semaphore_mem>>
        %dma_start3A_47 = arith.constant 0 : i32
        %dma_start3A_48 = tpu.memref_slice %arg9[%while3A_36, %dma_start3A_47] : memref<80x128xi32, #tpu.memory_space<vmem>> -> memref<1x128xi32, #tpu.memory_space<vmem>>
        %dma_start3A_49 = tpu.memref_squeeze %dma_start3A_48 : memref<1x128xi32, #tpu.memory_space<vmem>> -> memref<128xi32, #tpu.memory_space<vmem>>
        %dma_start3A_50 = arith.constant 0 : i32
        %dma_start3A_51 = arith.constant 0 : i32
        %dma_start3A_52 = tpu.memref_slice %arg11[%dma_start3A_50, %dma_start3A_51] : memref<10016x128xf32, #tpu.memory_space<vmem_shared>> -> memref<10016x128xf32, #tpu.memory_space<vmem_shared>>
        tpu.enqueue_indirect_dma source(%arg10 : memref<128x128xf32, #tpu.memory_space<vmem>>) target(%dma_start3A_52 : memref<10016x128xf32, #tpu.memory_space<vmem_shared>>) offsets(%dma_start3A_49 : memref<128xi32, #tpu.memory_space<vmem>>) semaphore(%run_scoped3A : memref<!tpu.dma_semaphore, #tpu.memory_space<semaphore_mem>>) {add = true}
        %dma_wait3A_53 = arith.constant 0 : i32
        %dma_wait3A_54 = tpu.memref_slice %arg9[%while3A_36, %dma_wait3A_53] : memref<80x128xi32, #tpu.memory_space<vmem>> -> memref<1x128xi32, #tpu.memory_space<vmem>>
        %dma_wait3A_55 = tpu.memref_squeeze %dma_wait3A_54 : memref<1x128xi32, #tpu.memory_space<vmem>> -> memref<128xi32, #tpu.memory_space<vmem>>
        %dma_wait3A_56 = arith.constant 0 : i32
        %dma_wait3A_57 = arith.constant 0 : i32
        %dma_wait3A_58 = tpu.memref_slice %arg11[%dma_wait3A_56, %dma_wait3A_57] : memref<10016x128xf32, #tpu.memory_space<vmem_shared>> -> memref<10016x128xf32, #tpu.memory_space<vmem_shared>>
        tpu.wait_indirect_dma semaphore(%run_scoped3A : memref<!tpu.dma_semaphore, #tpu.memory_space<semaphore_mem>>) src(%arg10 : memref<128x128xf32, #tpu.memory_space<vmem>>) dst(%dma_wait3A_58 : memref<10016x128xf32, #tpu.memory_space<vmem_shared>>)
        tpu.yield
      }) : () -> ()
    }
    %barrier3A_26 = arith.constant 0 : index
    tpu.barrier barrier_id(%barrier3A_26)
    %mul3A_27 = arith.constant 624 : i32
    %mul3A_28 = arith.muli %arg1, %mul3A_27 : i32
    %mul3A_29 = arith.constant 624 : i32
    %mul3A_30 = arith.muli %arg1, %mul3A_29 : i32
    "tpu.region"() ({
      %run_scoped3A = tpu.sem_alloc : memref<!tpu.dma_semaphore, #tpu.memory_space<semaphore_mem>>
      %dma_start3A = arith.constant 0 : i32
      %dma_start3A_36 = tpu.memref_slice %arg7[%arg0, %mul3A_30, %dma_start3A] : memref<2x10000x128xf32, #tpu.memory_space<hbm>> -> memref<1x624x128xf32, #tpu.memory_space<hbm>>
      %dma_start3A_37 = tpu.memref_squeeze %dma_start3A_36 : memref<1x624x128xf32, #tpu.memory_space<hbm>> -> memref<624x128xf32, #tpu.memory_space<hbm>>
      %dma_start3A_38 = arith.constant 0 : i32
      %dma_start3A_39 = tpu.memref_slice %arg11[%mul3A_28, %dma_start3A_38] : memref<10016x128xf32, #tpu.memory_space<vmem_shared>> -> memref<624x128xf32, #tpu.memory_space<vmem_shared>>
      tpu.enqueue_dma source(%dma_start3A_39 : memref<624x128xf32, #tpu.memory_space<vmem_shared>>) target(%dma_start3A_37 : memref<624x128xf32, #tpu.memory_space<hbm>>) target_semaphore(%run_scoped3A : memref<!tpu.dma_semaphore, #tpu.memory_space<semaphore_mem>>)
      %dma_wait3A = arith.constant 0 : i32
      %dma_wait3A_40 = tpu.memref_slice %arg7[%arg0, %mul3A_30, %dma_wait3A] : memref<2x10000x128xf32, #tpu.memory_space<hbm>> -> memref<1x624x128xf32, #tpu.memory_space<hbm>>
      %dma_wait3A_41 = tpu.memref_squeeze %dma_wait3A_40 : memref<1x624x128xf32, #tpu.memory_space<hbm>> -> memref<624x128xf32, #tpu.memory_space<hbm>>
      %dma_wait3A_42 = arith.constant 0 : i32
      %dma_wait3A_43 = tpu.memref_slice %arg11[%mul3A_28, %dma_wait3A_42] : memref<10016x128xf32, #tpu.memory_space<vmem_shared>> -> memref<624x128xf32, #tpu.memory_space<vmem_shared>>
      tpu.wait_dma2 semaphore(%run_scoped3A : memref<!tpu.dma_semaphore, #tpu.memory_space<semaphore_mem>>) src(%dma_wait3A_43 : memref<624x128xf32, #tpu.memory_space<vmem_shared>>) dst(%dma_wait3A_41 : memref<624x128xf32, #tpu.memory_space<hbm>>)
      tpu.yield
    }) : () -> ()
    %eq3A_31 = arith.constant 0 : i32
    %eq3A_32 = arith.cmpi eq, %arg1, %eq3A_31 : i32
    %convert_element_type3A_33 = arith.extui %eq3A_32 : i1 to i32
    %cond3A_34 = arith.constant 0 : i32
    %cond3A_35 = arith.cmpi ne, %convert_element_type3A_33, %cond3A_34 : i32
    scf.if %cond3A_35 {
      "tpu.region"() ({
        %run_scoped3A = tpu.sem_alloc : memref<!tpu.dma_semaphore, #tpu.memory_space<semaphore_mem>>
        %dma_start3A = arith.constant 9984 : i32
        %dma_start3A_36 = arith.constant 0 : i32
        %dma_start3A_37 = tpu.memref_slice %arg7[%arg0, %dma_start3A, %dma_start3A_36] : memref<2x10000x128xf32, #tpu.memory_space<hbm>> -> memref<1x16x128xf32, #tpu.memory_space<hbm>>
        %dma_start3A_38 = tpu.memref_squeeze %dma_start3A_37 : memref<1x16x128xf32, #tpu.memory_space<hbm>> -> memref<16x128xf32, #tpu.memory_space<hbm>>
        %dma_start3A_39 = arith.constant 9984 : i32
        %dma_start3A_40 = arith.constant 0 : i32
        %dma_start3A_41 = tpu.memref_slice %arg11[%dma_start3A_39, %dma_start3A_40] : memref<10016x128xf32, #tpu.memory_space<vmem_shared>> -> memref<16x128xf32, #tpu.memory_space<vmem_shared>>
        tpu.enqueue_dma source(%dma_start3A_41 : memref<16x128xf32, #tpu.memory_space<vmem_shared>>) target(%dma_start3A_38 : memref<16x128xf32, #tpu.memory_space<hbm>>) target_semaphore(%run_scoped3A : memref<!tpu.dma_semaphore, #tpu.memory_space<semaphore_mem>>)
        %dma_wait3A = arith.constant 9984 : i32
        %dma_wait3A_42 = arith.constant 0 : i32
        %dma_wait3A_43 = tpu.memref_slice %arg7[%arg0, %dma_wait3A, %dma_wait3A_42] : memref<2x10000x128xf32, #tpu.memory_space<hbm>> -> memref<1x16x128xf32, #tpu.memory_space<hbm>>
        %dma_wait3A_44 = tpu.memref_squeeze %dma_wait3A_43 : memref<1x16x128xf32, #tpu.memory_space<hbm>> -> memref<16x128xf32, #tpu.memory_space<hbm>>
        %dma_wait3A_45 = arith.constant 9984 : i32
        %dma_wait3A_46 = arith.constant 0 : i32
        %dma_wait3A_47 = tpu.memref_slice %arg11[%dma_wait3A_45, %dma_wait3A_46] : memref<10016x128xf32, #tpu.memory_space<vmem_shared>> -> memref<16x128xf32, #tpu.memory_space<vmem_shared>>
        tpu.wait_dma2 semaphore(%run_scoped3A : memref<!tpu.dma_semaphore, #tpu.memory_space<semaphore_mem>>) src(%dma_wait3A_47 : memref<16x128xf32, #tpu.memory_space<vmem_shared>>) dst(%dma_wait3A_44 : memref<16x128xf32, #tpu.memory_space<hbm>>)
        tpu.yield
      }) : () -> ()
    } else {
    }
    return
  }
}

module attributes {stable_mosaic.version = 14 : i64} {
  func.func @body(%arg0: i32, %arg1: memref<2x1000x128xf32, #tpu.memory_space<vmem>>, %arg2: memref<1000x2xf32, #tpu.memory_space<vmem>>, %arg3: memref<1000x128xf32, #tpu.memory_space<vmem>>, %arg4: memref<128x128xf32, #tpu.memory_space<vmem>>, %arg5: memref<128x128xf32, #tpu.memory_space<vmem>>, %arg6: memref<1x128xf32, #tpu.memory_space<vmem>>, %arg7: memref<1000x128xf32, #tpu.memory_space<vmem>>) attributes {dimension_semantics = [#tpu.dimension_semantics<arbitrary>], iteration_bounds = array<i64: 10>, scalar_prefetch = 0 : i64, scratch_operands = 0 : i64, tpu.core_type = #tpu.core_type<tc>, window_params = [{transform_indices = @transform_0, window_bounds = array<i64: 2, 1000, 128>}, {transform_indices = @transform_1, window_bounds = array<i64: 1000, 2>}, {transform_indices = @transform_2, window_bounds = array<i64: 1000, 128>}, {pipeline_mode = #tpu.pipeline_mode<synchronous>, transform_indices = @transform_3, window_bounds = array<i64: 128, 128>}, {pipeline_mode = #tpu.pipeline_mode<synchronous>, transform_indices = @transform_4, window_bounds = array<i64: 128, 128>}, {pipeline_mode = #tpu.pipeline_mode<synchronous>, transform_indices = @transform_5, window_bounds = array<i64: 1, 128>}, {transform_indices = @transform_6, window_bounds = array<i64: 1000, 128>}]} {
    %get3A = arith.constant 0 : index
    %get3A_0 = arith.constant 0 : index
    %get3A_1 = arith.constant 0 : index
    %get3A_2 = vector.load %arg1[%get3A, %get3A_0, %get3A_1] : memref<2x1000x128xf32, #tpu.memory_space<vmem>>, vector<1x1000x128xf32>
    %get3A_3 = vector.shape_cast %get3A_2 : vector<1x1000x128xf32> to vector<1000x128xf32>
    %get3A_4 = arith.constant 1 : index
    %get3A_5 = arith.constant 0 : index
    %get3A_6 = arith.constant 0 : index
    %get3A_7 = vector.load %arg1[%get3A_4, %get3A_5, %get3A_6] : memref<2x1000x128xf32, #tpu.memory_space<vmem>>, vector<1x1000x128xf32>
    %get3A_8 = vector.shape_cast %get3A_7 : vector<1x1000x128xf32> to vector<1000x128xf32>
    %add3A = arith.addf %get3A_3, %get3A_8 : vector<1000x128xf32>
    %get3A_9 = arith.constant 0 : index
    %get3A_10 = arith.constant 0 : index
    %get3A_11 = vector.load %arg2[%get3A_9, %get3A_10] : memref<1000x2xf32, #tpu.memory_space<vmem>>, vector<1000x1xf32>
    %get3A_12 = vector.shape_cast %get3A_11 : vector<1000x1xf32> to vector<1000xf32>
    %get3A_13 = arith.constant 0 : index
    %get3A_14 = arith.constant 1 : index
    %get3A_15 = vector.load %arg2[%get3A_13, %get3A_14] : memref<1000x2xf32, #tpu.memory_space<vmem>>, vector<1000x1xf32>
    %get3A_16 = vector.shape_cast %get3A_15 : vector<1000x1xf32> to vector<1000xf32>
    %add3A_17 = arith.addf %get3A_12, %get3A_16 : vector<1000xf32>
    %jit3A = arith.constant 1.000000e+00 : f32
    %max3A = vector.broadcast %jit3A : f32 to vector<1000xf32>
    %max3A_18 = arith.maximumf %max3A, %add3A_17 : vector<1000xf32>
    %broadcast_in_dim3A = vector.shape_cast %max3A_18 : vector<1000xf32> to vector<1000x1xf32>
    %div3A = vector.broadcast %broadcast_in_dim3A : vector<1000x1xf32> to vector<1000x128xf32>
    %div3A_19 = arith.divf %add3A, %div3A : vector<1000x128xf32>
    %get3A_20 = arith.constant 0 : index
    %get3A_21 = arith.constant 0 : index
    %get3A_22 = vector.load %arg4[%get3A_20, %get3A_21] : memref<128x128xf32, #tpu.memory_space<vmem>>, vector<128x128xf32>
    %dot_general3A = arith.constant dense<0.000000e+00> : vector<1000x128xf32>
    %dot_general3A_23 = tpu.matmul %div3A_19, %get3A_22, %dot_general3A {dimension_numbers = #tpu.dot_dimension_numbers<[1], [0], [0], [1], [0, 0, 1, 1], [], []>, transpose_lhs_hint = false} : vector<1000x128xf32>, vector<128x128xf32>, vector<1000x128xf32> -> vector<1000x128xf32>
    %get3A_24 = arith.constant 0 : index
    %get3A_25 = arith.constant 0 : index
    %get3A_26 = vector.load %arg3[%get3A_24, %get3A_25] : memref<1000x128xf32, #tpu.memory_space<vmem>>, vector<1000x128xf32>
    %get3A_27 = arith.constant 0 : index
    %get3A_28 = arith.constant 0 : index
    %get3A_29 = vector.load %arg5[%get3A_27, %get3A_28] : memref<128x128xf32, #tpu.memory_space<vmem>>, vector<128x128xf32>
    %dot_general3A_30 = arith.constant dense<0.000000e+00> : vector<1000x128xf32>
    %dot_general3A_31 = tpu.matmul %get3A_26, %get3A_29, %dot_general3A_30 {dimension_numbers = #tpu.dot_dimension_numbers<[1], [0], [0], [1], [0, 0, 1, 1], [], []>, transpose_lhs_hint = false} : vector<1000x128xf32>, vector<128x128xf32>, vector<1000x128xf32> -> vector<1000x128xf32>
    %add3A_32 = arith.addf %dot_general3A_23, %dot_general3A_31 : vector<1000x128xf32>
    %get3A_33 = arith.constant 0 : index
    %get3A_34 = arith.constant 0 : index
    %get3A_35 = vector.load %arg6[%get3A_33, %get3A_34] : memref<1x128xf32, #tpu.memory_space<vmem>>, vector<1x128xf32>
    %add3A_36 = vector.broadcast %get3A_35 : vector<1x128xf32> to vector<1000x128xf32>
    %add3A_37 = arith.addf %add3A_32, %add3A_36 : vector<1000x128xf32>
    %max3A_38 = arith.constant 0.000000e+00 : f32
    %max3A_39 = vector.broadcast %max3A_38 : f32 to vector<1000x128xf32>
    %max3A_40 = arith.maximumf %add3A_37, %max3A_39 : vector<1000x128xf32>
    %swap3A = arith.constant 0 : index
    %swap3A_41 = arith.constant 0 : index
    %swap3A_42 = vector.load %arg7[%swap3A, %swap3A_41] : memref<1000x128xf32, #tpu.memory_space<vmem>>, vector<1000x128xf32>
    tpu.vector_store %arg7[%swap3A, %swap3A_41], %max3A_40 {strides = array<i32>} : memref<1000x128xf32, #tpu.memory_space<vmem>>, vector<1000x128xf32>,
    return
  }
  func.func @transform_0(%arg0: i32) -> (i32, i32, i32) {
    %c0_i32 = arith.constant 0 : i32
    %c0_i32_0 = arith.constant 0 : i32
    %c0_i32_1 = arith.constant 0 : i32
    return %c0_i32, %arg0, %c0_i32_0 : i32, i32, i32
  }
  func.func @transform_1(%arg0: i32) -> (i32, i32) {
    %c0_i32 = arith.constant 0 : i32
    %c0_i32_0 = arith.constant 0 : i32
    return %arg0, %c0_i32 : i32, i32
  }
  func.func @transform_2(%arg0: i32) -> (i32, i32) {
    %c0_i32 = arith.constant 0 : i32
    %c0_i32_0 = arith.constant 0 : i32
    return %arg0, %c0_i32 : i32, i32
  }
  func.func @transform_3(%arg0: i32) -> (i32, i32) {
    %c0_i32 = arith.constant 0 : i32
    %c0_i32_0 = arith.constant 0 : i32
    %c0_i32_1 = arith.constant 0 : i32
    return %c0_i32, %c0_i32_0 : i32, i32
  }
  func.func @transform_4(%arg0: i32) -> (i32, i32) {
    %c0_i32 = arith.constant 0 : i32
    %c0_i32_0 = arith.constant 0 : i32
    %c0_i32_1 = arith.constant 0 : i32
    return %c0_i32, %c0_i32_0 : i32, i32
  }
  func.func @transform_5(%arg0: i32) -> (i32, i32) {
    %c0_i32 = arith.constant 0 : i32
    %c0_i32_0 = arith.constant 0 : i32
    %c0_i32_1 = arith.constant 0 : i32
    return %c0_i32, %c0_i32_0 : i32, i32
  }
  func.func @transform_6(%arg0: i32) -> (i32, i32) {
    %c0_i32 = arith.constant 0 : i32
    %c0_i32_0 = arith.constant 0 : i32
    return %arg0, %c0_i32 : i32, i32
  }
}

module attributes {stable_mosaic.version = 14 : i64} {
  func.func @body(%arg0: i32, %arg1: memref<2x1000x128xf32, #tpu.memory_space<vmem>>, %arg2: memref<1000x2xf32, #tpu.memory_space<vmem>>, %arg3: memref<1000x128xf32, #tpu.memory_space<vmem>>, %arg4: memref<128x128xf32, #tpu.memory_space<vmem>>, %arg5: memref<128x128xf32, #tpu.memory_space<vmem>>, %arg6: memref<1x128xf32, #tpu.memory_space<vmem>>, %arg7: memref<1000x128xf32, #tpu.memory_space<vmem>>) attributes {dimension_semantics = [#tpu.dimension_semantics<arbitrary>], iteration_bounds = array<i64: 10>, scalar_prefetch = 0 : i64, scratch_operands = 0 : i64, tpu.core_type = #tpu.core_type<tc>, window_params = [{transform_indices = @transform_0, window_bounds = array<i64: 2, 1000, 128>}, {transform_indices = @transform_1, window_bounds = array<i64: 1000, 2>}, {transform_indices = @transform_2, window_bounds = array<i64: 1000, 128>}, {pipeline_mode = #tpu.pipeline_mode<synchronous>, transform_indices = @transform_3, window_bounds = array<i64: 128, 128>}, {pipeline_mode = #tpu.pipeline_mode<synchronous>, transform_indices = @transform_4, window_bounds = array<i64: 128, 128>}, {pipeline_mode = #tpu.pipeline_mode<synchronous>, transform_indices = @transform_5, window_bounds = array<i64: 1, 128>}, {transform_indices = @transform_6, window_bounds = array<i64: 1000, 128>}]} {
    %get3A = arith.constant 0 : index
    %get3A_0 = arith.constant 0 : index
    %get3A_1 = arith.constant 0 : index
    %get3A_2 = vector.load %arg1[%get3A, %get3A_0, %get3A_1] : memref<2x1000x128xf32, #tpu.memory_space<vmem>>, vector<1x1000x128xf32>
    %get3A_3 = vector.shape_cast %get3A_2 : vector<1x1000x128xf32> to vector<1000x128xf32>
    %get3A_4 = arith.constant 1 : index
    %get3A_5 = arith.constant 0 : index
    %get3A_6 = arith.constant 0 : index
    %get3A_7 = vector.load %arg1[%get3A_4, %get3A_5, %get3A_6] : memref<2x1000x128xf32, #tpu.memory_space<vmem>>, vector<1x1000x128xf32>
    %get3A_8 = vector.shape_cast %get3A_7 : vector<1x1000x128xf32> to vector<1000x128xf32>
    %add3A = arith.addf %get3A_3, %get3A_8 : vector<1000x128xf32>
    %get3A_9 = arith.constant 0 : index
    %get3A_10 = arith.constant 0 : index
    %get3A_11 = vector.load %arg2[%get3A_9, %get3A_10] : memref<1000x2xf32, #tpu.memory_space<vmem>>, vector<1000x1xf32>
    %get3A_12 = vector.shape_cast %get3A_11 : vector<1000x1xf32> to vector<1000xf32>
    %get3A_13 = arith.constant 0 : index
    %get3A_14 = arith.constant 1 : index
    %get3A_15 = vector.load %arg2[%get3A_13, %get3A_14] : memref<1000x2xf32, #tpu.memory_space<vmem>>, vector<1000x1xf32>
    %get3A_16 = vector.shape_cast %get3A_15 : vector<1000x1xf32> to vector<1000xf32>
    %add3A_17 = arith.addf %get3A_12, %get3A_16 : vector<1000xf32>
    %jit3A = arith.constant 1.000000e+00 : f32
    %max3A = vector.broadcast %jit3A : f32 to vector<1000xf32>
    %max3A_18 = arith.maximumf %max3A, %add3A_17 : vector<1000xf32>
    %broadcast_in_dim3A = vector.shape_cast %max3A_18 : vector<1000xf32> to vector<1000x1xf32>
    %div3A = vector.broadcast %broadcast_in_dim3A : vector<1000x1xf32> to vector<1000x128xf32>
    %div3A_19 = arith.divf %add3A, %div3A : vector<1000x128xf32>
    %get3A_20 = arith.constant 0 : index
    %get3A_21 = arith.constant 0 : index
    %get3A_22 = vector.load %arg4[%get3A_20, %get3A_21] : memref<128x128xf32, #tpu.memory_space<vmem>>, vector<128x128xf32>
    %dot_general3A = arith.constant dense<0.000000e+00> : vector<1000x128xf32>
    %dot_general3A_23 = tpu.matmul %div3A_19, %get3A_22, %dot_general3A {dimension_numbers = #tpu.dot_dimension_numbers<[1], [0], [0], [1], [0, 0, 1, 1], [], []>, transpose_lhs_hint = false} : vector<1000x128xf32>, vector<128x128xf32>, vector<1000x128xf32> -> vector<1000x128xf32>
    %get3A_24 = arith.constant 0 : index
    %get3A_25 = arith.constant 0 : index
    %get3A_26 = vector.load %arg3[%get3A_24, %get3A_25] : memref<1000x128xf32, #tpu.memory_space<vmem>>, vector<1000x128xf32>
    %get3A_27 = arith.constant 0 : index
    %get3A_28 = arith.constant 0 : index
    %get3A_29 = vector.load %arg5[%get3A_27, %get3A_28] : memref<128x128xf32, #tpu.memory_space<vmem>>, vector<128x128xf32>
    %dot_general3A_30 = arith.constant dense<0.000000e+00> : vector<1000x128xf32>
    %dot_general3A_31 = tpu.matmul %get3A_26, %get3A_29, %dot_general3A_30 {dimension_numbers = #tpu.dot_dimension_numbers<[1], [0], [0], [1], [0, 0, 1, 1], [], []>, transpose_lhs_hint = false} : vector<1000x128xf32>, vector<128x128xf32>, vector<1000x128xf32> -> vector<1000x128xf32>
    %add3A_32 = arith.addf %dot_general3A_23, %dot_general3A_31 : vector<1000x128xf32>
    %get3A_33 = arith.constant 0 : index
    %get3A_34 = arith.constant 0 : index
    %get3A_35 = vector.load %arg6[%get3A_33, %get3A_34] : memref<1x128xf32, #tpu.memory_space<vmem>>, vector<1x128xf32>
    %add3A_36 = vector.broadcast %get3A_35 : vector<1x128xf32> to vector<1000x128xf32>
    %add3A_37 = arith.addf %add3A_32, %add3A_36 : vector<1000x128xf32>
    %swap3A = arith.constant 0 : index
    %swap3A_38 = arith.constant 0 : index
    %swap3A_39 = vector.load %arg7[%swap3A, %swap3A_38] : memref<1000x128xf32, #tpu.memory_space<vmem>>, vector<1000x128xf32>
    tpu.vector_store %arg7[%swap3A, %swap3A_38], %add3A_37 {strides = array<i32>} : memref<1000x128xf32, #tpu.memory_space<vmem>>, vector<1000x128xf32>,
    return
  }
  func.func @transform_0(%arg0: i32) -> (i32, i32, i32) {
    %c0_i32 = arith.constant 0 : i32
    %c0_i32_0 = arith.constant 0 : i32
    %c0_i32_1 = arith.constant 0 : i32
    return %c0_i32, %arg0, %c0_i32_0 : i32, i32, i32
  }
  func.func @transform_1(%arg0: i32) -> (i32, i32) {
    %c0_i32 = arith.constant 0 : i32
    %c0_i32_0 = arith.constant 0 : i32
    return %arg0, %c0_i32 : i32, i32
  }
  func.func @transform_2(%arg0: i32) -> (i32, i32) {
    %c0_i32 = arith.constant 0 : i32
    %c0_i32_0 = arith.constant 0 : i32
    return %arg0, %c0_i32 : i32, i32
  }
  func.func @transform_3(%arg0: i32) -> (i32, i32) {
    %c0_i32 = arith.constant 0 : i32
    %c0_i32_0 = arith.constant 0 : i32
    %c0_i32_1 = arith.constant 0 : i32
    return %c0_i32, %c0_i32_0 : i32, i32
  }
  func.func @transform_4(%arg0: i32) -> (i32, i32) {
    %c0_i32 = arith.constant 0 : i32
    %c0_i32_0 = arith.constant 0 : i32
    %c0_i32_1 = arith.constant 0 : i32
    return %c0_i32, %c0_i32_0 : i32, i32
  }
  func.func @transform_5(%arg0: i32) -> (i32, i32) {
    %c0_i32 = arith.constant 0 : i32
    %c0_i32_0 = arith.constant 0 : i32
    %c0_i32_1 = arith.constant 0 : i32
    return %c0_i32, %c0_i32_0 : i32, i32
  }
  func.func @transform_6(%arg0: i32) -> (i32, i32) {
    %c0_i32 = arith.constant 0 : i32
    %c0_i32_0 = arith.constant 0 : i32
    return %arg0, %c0_i32 : i32, i32
  }
}

module attributes {stable_mosaic.version = 14 : i64} {
  func.func @body(%arg0: i32, %arg1: memref<2048x128xf32, #tpu.memory_space<vmem>>, %arg2: memref<2048x128xf32, #tpu.memory_space<vmem>>, %arg3: memref<128x128xf32, #tpu.memory_space<vmem>>, %arg4: memref<128x128xf32, #tpu.memory_space<vmem>>, %arg5: memref<1x128xf32, #tpu.memory_space<vmem>>, %arg6: memref<128x1xf32, #tpu.memory_space<vmem>>, %arg7: memref<1x1xf32, #tpu.memory_space<vmem>>, %arg8: memref<2048x1xf32, #tpu.memory_space<vmem>>) attributes {dimension_semantics = [#tpu.dimension_semantics<arbitrary>], iteration_bounds = array<i64: 32>, scalar_prefetch = 0 : i64, scratch_operands = 0 : i64, tpu.core_type = #tpu.core_type<tc>, window_params = [{transform_indices = @transform_0, window_bounds = array<i64: 2048, 128>}, {transform_indices = @transform_1, window_bounds = array<i64: 2048, 128>}, {pipeline_mode = #tpu.pipeline_mode<synchronous>, transform_indices = @transform_2, window_bounds = array<i64: 128, 128>}, {pipeline_mode = #tpu.pipeline_mode<synchronous>, transform_indices = @transform_3, window_bounds = array<i64: 128, 128>}, {pipeline_mode = #tpu.pipeline_mode<synchronous>, transform_indices = @transform_4, window_bounds = array<i64: 1, 128>}, {pipeline_mode = #tpu.pipeline_mode<synchronous>, transform_indices = @transform_5, window_bounds = array<i64: 128, 1>}, {pipeline_mode = #tpu.pipeline_mode<synchronous>, transform_indices = @transform_6, window_bounds = array<i64: 1, 1>}, {transform_indices = @transform_7, window_bounds = array<i64: 2048, 1>}]} {
    %get3A = arith.constant 0 : index
    %get3A_0 = arith.constant 0 : index
    %get3A_1 = vector.load %arg1[%get3A, %get3A_0] : memref<2048x128xf32, #tpu.memory_space<vmem>>, vector<2048x128xf32>
    %get3A_2 = arith.constant 0 : index
    %get3A_3 = arith.constant 0 : index
    %get3A_4 = vector.load %arg3[%get3A_2, %get3A_3] : memref<128x128xf32, #tpu.memory_space<vmem>>, vector<128x128xf32>
    %dot_general3A = arith.constant dense<0.000000e+00> : vector<2048x128xf32>
    %dot_general3A_5 = tpu.matmul %get3A_1, %get3A_4, %dot_general3A {dimension_numbers = #tpu.dot_dimension_numbers<[1], [0], [0], [1], [0, 0, 1, 1], [], []>, transpose_lhs_hint = false} : vector<2048x128xf32>, vector<128x128xf32>, vector<2048x128xf32> -> vector<2048x128xf32>
    %get3A_6 = arith.constant 0 : index
    %get3A_7 = arith.constant 0 : index
    %get3A_8 = vector.load %arg2[%get3A_6, %get3A_7] : memref<2048x128xf32, #tpu.memory_space<vmem>>, vector<2048x128xf32>
    %get3A_9 = arith.constant 0 : index
    %get3A_10 = arith.constant 0 : index
    %get3A_11 = vector.load %arg4[%get3A_9, %get3A_10] : memref<128x128xf32, #tpu.memory_space<vmem>>, vector<128x128xf32>
    %dot_general3A_12 = arith.constant dense<0.000000e+00> : vector<2048x128xf32>
    %dot_general3A_13 = tpu.matmul %get3A_8, %get3A_11, %dot_general3A_12 {dimension_numbers = #tpu.dot_dimension_numbers<[1], [0], [0], [1], [0, 0, 1, 1], [], []>, transpose_lhs_hint = false} : vector<2048x128xf32>, vector<128x128xf32>, vector<2048x128xf32> -> vector<2048x128xf32>
    %add3A = arith.addf %dot_general3A_5, %dot_general3A_13 : vector<2048x128xf32>
    %get3A_14 = arith.constant 0 : index
    %get3A_15 = arith.constant 0 : index
    %get3A_16 = vector.load %arg5[%get3A_14, %get3A_15] : memref<1x128xf32, #tpu.memory_space<vmem>>, vector<1x128xf32>
    %add3A_17 = vector.broadcast %get3A_16 : vector<1x128xf32> to vector<2048x128xf32>
    %add3A_18 = arith.addf %add3A, %add3A_17 : vector<2048x128xf32>
    %max3A = arith.constant 0.000000e+00 : f32
    %max3A_19 = vector.broadcast %max3A : f32 to vector<2048x128xf32>
    %max3A_20 = arith.maximumf %add3A_18, %max3A_19 : vector<2048x128xf32>
    %get3A_21 = arith.constant 0 : index
    %get3A_22 = arith.constant 0 : index
    %get3A_23 = vector.load %arg6[%get3A_21, %get3A_22] : memref<128x1xf32, #tpu.memory_space<vmem>>, vector<128x1xf32>
    %dot_general3A_24 = arith.constant dense<0.000000e+00> : vector<2048x1xf32>
    %dot_general3A_25 = tpu.matmul %max3A_20, %get3A_23, %dot_general3A_24 {dimension_numbers = #tpu.dot_dimension_numbers<[1], [0], [0], [1], [0, 0, 1, 1], [], []>, transpose_lhs_hint = false} : vector<2048x128xf32>, vector<128x1xf32>, vector<2048x1xf32> -> vector<2048x1xf32>
    %get3A_26 = arith.constant 0 : index
    %get3A_27 = arith.constant 0 : index
    %get3A_28 = vector.load %arg7[%get3A_26, %get3A_27] : memref<1x1xf32, #tpu.memory_space<vmem>>, vector<1x1xf32>
    %add3A_29 = vector.broadcast %get3A_28 : vector<1x1xf32> to vector<2048x1xf32>
    %add3A_30 = arith.addf %dot_general3A_25, %add3A_29 : vector<2048x1xf32>
    %logistic3A = arith.negf %add3A_30 : vector<2048x1xf32>
    %logistic3A_31 = math.exp %logistic3A : vector<2048x1xf32>
    %logistic3A_32 = arith.constant 1.000000e+00 : f32
    %logistic3A_33 = vector.broadcast %logistic3A_32 : f32 to vector<2048x1xf32>
    %logistic3A_34 = arith.addf %logistic3A_33, %logistic3A_31 : vector<2048x1xf32>
    %logistic3A_35 = arith.divf %logistic3A_33, %logistic3A_34 : vector<2048x1xf32>
    %swap3A = arith.constant 0 : index
    %swap3A_36 = arith.constant 0 : index
    %swap3A_37 = vector.load %arg8[%swap3A, %swap3A_36] : memref<2048x1xf32, #tpu.memory_space<vmem>>, vector<2048x1xf32>
    tpu.vector_store %arg8[%swap3A, %swap3A_36], %logistic3A_35 {strides = array<i32>} : memref<2048x1xf32, #tpu.memory_space<vmem>>, vector<2048x1xf32>,
    return
  }
  func.func @transform_0(%arg0: i32) -> (i32, i32) {
    %c0_i32 = arith.constant 0 : i32
    %c0_i32_0 = arith.constant 0 : i32
    return %arg0, %c0_i32 : i32, i32
  }
  func.func @transform_1(%arg0: i32) -> (i32, i32) {
    %c0_i32 = arith.constant 0 : i32
    %c0_i32_0 = arith.constant 0 : i32
    return %arg0, %c0_i32 : i32, i32
  }
  func.func @transform_2(%arg0: i32) -> (i32, i32) {
    %c0_i32 = arith.constant 0 : i32
    %c0_i32_0 = arith.constant 0 : i32
    %c0_i32_1 = arith.constant 0 : i32
    return %c0_i32, %c0_i32_0 : i32, i32
  }
  func.func @transform_3(%arg0: i32) -> (i32, i32) {
    %c0_i32 = arith.constant 0 : i32
    %c0_i32_0 = arith.constant 0 : i32
    %c0_i32_1 = arith.constant 0 : i32
    return %c0_i32, %c0_i32_0 : i32, i32
  }
  func.func @transform_4(%arg0: i32) -> (i32, i32) {
    %c0_i32 = arith.constant 0 : i32
    %c0_i32_0 = arith.constant 0 : i32
    %c0_i32_1 = arith.constant 0 : i32
    return %c0_i32, %c0_i32_0 : i32, i32
  }
  func.func @transform_5(%arg0: i32) -> (i32, i32) {
    %c0_i32 = arith.constant 0 : i32
    %c0_i32_0 = arith.constant 0 : i32
    %c0_i32_1 = arith.constant 0 : i32
    return %c0_i32, %c0_i32_0 : i32, i32
  }
  func.func @transform_6(%arg0: i32) -> (i32, i32) {
    %c0_i32 = arith.constant 0 : i32
    %c0_i32_0 = arith.constant 0 : i32
    %c0_i32_1 = arith.constant 0 : i32
    return %c0_i32, %c0_i32_0 : i32, i32
  }
  func.func @transform_7(%arg0: i32) -> (i32, i32) {
    %c0_i32 = arith.constant 0 : i32
    %c0_i32_0 = arith.constant 0 : i32
    return %arg0, %c0_i32 : i32, i32
  }
}

</mosaic_0001>

<sc_bundles>
// kernel: kernel.11.cloned.1.call-start
scs
__scs_entry_jumppad:
0x0: {  	(pc) =	sbr.rel $0x88, $3  }
0x1: {  	(tag) =	ssettag $0x0;
	lr =	simm.s32 $0x1  }
0x2: {  	[smem:$0x3F94] =	sst lr;
	_ =	strace $0xD0000000  }
0x3: {  	_ = 	snop  }
0x4: {  	_ = 	snop  }
0x5: {  	_ = 	snop  }
0x6: {  	_ = 	snop  }
0x7: {  	_ = 	snop  }
__scs_overlays_trampoline_lowered:
0x8: {  	[smem:$0x3FA3] =	sst s0  }
0x9: {  	[smem:$0x3FA4] =	sst s1  }
0xa: {  	[smem:$0x3FA5] =	sst s2  }
0xb: {  	[smem:$0x3FA6] =	sst s3  }
0xc: {  	[smem:$0x3FA7] =	sst s4  }
0xd: {  	[smem:$0x3FA8] =	sst s5  }
0xe: {  	[smem:$0x3FA9] =	sst s6  }
0xf: {  	[smem:$0x3FAA] =	sst s7  }
0x10: {  	[smem:$0x3FAB] =	sst s8  }
0x11: {  	[smem:$0x3FAC] =	sst s9;
	s0 =	simm.s32 @!p0 $0x0  }
0x12: {  	s1 =	sld [smem:$0x3F92];
	s0 =	simm.s32 @p0 $0x1  }
0x13: {  	[smem:$0x3FAD] =	sst s0;
	s0 =	simm.s32 @!p1 $0x0  }
0x14: {  	s2 =	sld [smem:$0x3F91];
	s0 =	simm.s32 @p1 $0x1  }
0x15: {  	[smem:$0x3FAE] =	sst s0;
	s0 =	simm.s32 @!p2 $0x0  }
0x16: {  	s3 =	sld [smem:$0x3FDB];
	s0 =	simm.s32 @p2 $0x1  }
0x17: {  	s4 =	simm.s32 $0x1BF5;
	[smem:$0x3FB0] =	sst s0  }
0x18: {  	s0 =	sld [smem:$0x3F93];
	_ =	swait.ge [sflag:s4], $0x0  }
0x19: {  	s7 =	sld [smem:$0x3F94]  }
0x1a: {  	s8 =	sadd.s32 $0xFFFFE003, lr  }
0x1b: {  	s9 =	sadd.s32 $0xFFFFFEF7, lr;
	s5 =	simm.s32 $0xFFFFFFFF;
	p2 =	slt.u32 s8, $0xFFFFF086  }
0x1c: {  	p1 =	slt.u32 s9, $0xF7A;
	s5 =	simm.s32 @!p2 $0x0  }
0x1d: {  	s5 =	simm.s32 @p1 $0x1;
	p0 =	seq.s32 s7, s2  }
0x1e: {  	s7 =	smul.u32 @!p0 $0xF7A, s2;
	p2 =	seq.s32 @!p0 s5, $0x0  }
0x1f: {  	s9 =	smul.u32 $0xF7A, s1;
	s8 =	simm.s32 @!p0 $0x1BF5;
	p2 =	por !p2, p0  }
0x20: {  	[sflag:s8] =	ssyncset.s32 @!p0 $0xFFFFF086;
	s6 =	sadd.s32 @!p0 s3, s7;
	s7 =	simm.s32 @!p0 $0x108  }
0x21: {  	s3 =	sadd.s32 s3, s9;
	s6 =	sadd.s32 @!p0 $0x88, s6;
	s7 =	simm.s32 @p2 $0x1082  }
0x22: {  	[simem:s7], [sflag:s8] =	dma.local @!p0 [hbm:s6], $0xF7A  }
0x23: {  	s9 =	sor.u32 $0xD0000000, s2;
	s6 =	simm.s32 $0x108;
	_ =	swait.ge @!p0 [sflag:s8], $0x0  }
0x24: {  	s3 =	sadd.s32 $0x88, s3;
	s6 =	simm.s32 @!p1 $0x1082;
	[sflag:s4] =	ssyncset.s32 $0xFFFFF086  }
0x25: {  	[simem:s6], [sflag:s4] =	dma.local [hbm:s3], $0xF7A  }
0x26: {  	[smem:$0x3F94] =	sst s1;
	(tag) =	ssettag s2;
	_ =	strace s9  }
0x27: {  	s1 =	sld [smem:$0x3FA4]  }
0x28: {  	s2 =	sld [smem:$0x3FA5]  }
0x29: {  	s4 =	sld [smem:$0x3FA7]  }
0x2a: {  	p0 =	seq.s32 s5, $0x0;
	s5 =	sld [smem:$0x3FA8]  }
0x2b: {  	s6 =	sld [smem:$0x3FA9]  }
0x2c: {  	s7 =	sld [smem:$0x3FAA]  }
0x2d: {  	s3 =	simm.s32 $0x108;
	s8 =	sld [smem:$0x3FAB]  }
0x2e: {  	s3 =	simm.s32 @!p0 $0x1082;
	s9 =	sld [smem:$0x3FAC]  }
0x2f: {  	lr =	sadd.s32 s0, s3;
	s0 =	sld [smem:$0x3FA3]  }
0x30: {  	s3 =	sld [smem:$0x3FA6]  }
0x31: {  	[smem:$0x3FAF] =	sst s10  }
0x32: {  	s10 =	sld [smem:$0x3FAD];
	_ =	sdelay $0x3  }
0x33: {  	p0 =	seq.s32 s10, $0x1;
	s10 =	sld [smem:$0x3FAF];
	_ =	sdelay $0x3  }
0x34: {  	[smem:$0x3FAF] =	sst s10  }
0x35: {  	s10 =	sld [smem:$0x3FAE];
	_ =	sdelay $0x3  }
0x36: {  	p1 =	seq.s32 s10, $0x1;
	s10 =	sld [smem:$0x3FAF];
	_ =	sdelay $0x3  }
0x37: {  	[smem:$0x3FAF] =	sst s10  }
0x38: {  	s10 =	sld [smem:$0x3FB0]  }
0x39: {  	_ = 	snop;
	(pc) =	sbr.ind lr, $3  }
0x3a: {  	_ = 	snop  }
0x3b: {  	_ = 	snop  }
0x3c: {  	p2 =	seq.s32 s10, $0x1;
	s10 =	sld [smem:$0x3FAF]  }
0x3d: {  	_ =	shalt  }
0x3e: {  	_ =	shalt  }
0x3f: {  	_ =	shalt  }
0x40: {  	_ =	shalt  }
0x41: {  	_ =	shalt  }
0x42: {  	_ =	shalt  }
0x43: {  	_ =	shalt  }
0x44: {  	_ =	shalt  }
0x45: {  	_ =	shalt  }
0x46: {  	_ =	shalt  }
0x47: {  	_ =	shalt  }
0x48: {  	_ =	shalt  }
0x49: {  	_ =	shalt  }
0x4a: {  	_ =	shalt  }
0x4b: {  	_ =	shalt  }
0x4c: {  	_ =	shalt  }
0x4d: {  	_ =	shalt  }
0x4e: {  	_ =	shalt  }
0x4f: {  	_ =	shalt  }
0x50: {  	_ =	shalt  }
0x51: {  	_ =	shalt  }
0x52: {  	_ =	shalt  }
0x53: {  	_ =	shalt  }
0x54: {  	_ =	shalt  }
0x55: {  	_ =	shalt  }
0x56: {  	_ =	shalt  }
0x57: {  	_ =	shalt  }
0x58: {  	_ =	shalt  }
0x59: {  	_ =	shalt  }
0x5a: {  	_ =	shalt  }
0x5b: {  	_ =	shalt  }
0x5c: {  	_ =	shalt  }
0x5d: {  	_ =	shalt  }
0x5e: {  	_ =	shalt  }
0x5f: {  	_ =	shalt  }
0x60: {  	_ =	shalt  }
0x61: {  	_ =	shalt  }
0x62: {  	_ =	shalt  }
0x63: {  	_ =	shalt  }
0x64: {  	_ =	shalt  }
0x65: {  	_ =	shalt  }
0x66: {  	_ =	shalt  }
0x67: {  	_ =	shalt  }
0x68: {  	_ =	shalt  }
0x69: {  	_ =	shalt  }
0x6a: {  	_ =	shalt  }
0x6b: {  	_ =	shalt  }
0x6c: {  	_ =	shalt  }
0x6d: {  	_ =	shalt  }
0x6e: {  	_ =	shalt  }
0x6f: {  	_ =	shalt  }
0x70: {  	_ =	shalt  }
0x71: {  	_ =	shalt  }
0x72: {  	_ =	shalt  }
0x73: {  	_ =	shalt  }
0x74: {  	_ =	shalt  }
0x75: {  	_ =	shalt  }
0x76: {  	_ =	shalt  }
0x77: {  	_ =	shalt  }
0x78: {  	_ =	shalt  }
0x79: {  	_ =	shalt  }
0x7a: {  	_ =	shalt  }
0x7b: {  	_ =	shalt  }
0x7c: {  	_ =	shalt  }
0x7d: {  	_ =	shalt  }
0x7e: {  	_ =	shalt  }
0x7f: {  	_ =	shalt  }
0x80: {  	_ =	shalt  }
0x81: {  	_ =	shalt  }
0x82: {  	_ =	shalt  }
0x83: {  	_ =	shalt  }
0x84: {  	_ =	shalt  }
0x85: {  	_ =	shalt  }
0x86: {  	_ =	shalt  }
0x87: {  	_ =	shalt  }
.Lfunc_end0:
.L_simem_size_0:
called_computation.1_lowered:
.L_overlay_start_0:
0x88: {  	s2 =	sld [smem:$0x3FD9]  }
0x89: {  	s3 =	sld [smem:$0x3FFE];
	_ =	sdelay $0x1  }
0x8a: {  	s1 =	srdreg.scid  }
0x8b: {  	s0 =	sand.u32 $0x1, s1  }
0x8c: {  	s16 =	sshll.u32 s0, $0xA;
	s2 =	sadd.s32 s3, s2  }
0x8d: {  	s2 =	sadd.s32 s2, s16  }
0x8e: {  	[smem:$0x3FBB] =	sst s2  }
0x8f: {  	_ = 	snop  }
0x90: {  	(tm) =	ssettm $0x1  }
0x91: {  	s17 =	sld [smem:$0x3FFB];
	_ =	sdelay $0x3  }
0x92: {  	_ =	strace s17  }
0x93: {  	s2 =	sld [smem:$0x3FFC];
	_ =	sdelay $0x3  }
0x94: {  	_ =	strace s2  }
0x95: {  	s2 =	sld [smem:$0x3FFD];
	_ =	sdelay $0x3  }
0x96: {  	_ =	strace s2  }
0x97: {  	_ =	strace $0x8FFFFFFF  }
0x98: {  	s18 =	sld [smem:$0x3FDB];
	_ =	sdelay $0x1  }
0x99: {  	s19 =	simm.s32 $_scs_section_size  }
0x9a: {  	s4 =	simm.s32 $_size__tile_overlayer_lowered;
	s5 =	simm.s32 $_tile_overlayer_lowered  }
0x9b: {  	s22 =	simm.s32 $0x1BFF;
	s21 =	sshll.u32 s5, $0x1;
	s2 =	sadd.s32 s19, s18  }
0x9c: {  	s6 =	simm.s32 $0x0;
	s20 =	sshll.u32 s4, $0x1;
	s4 =	sadd.s32 s21, s2  }
0x9d: {  	[timem:s6], [sflag:s22] =	dma.local [hbm:s4], s20  }
0x9e: {  	_ =	swait.ge [sflag:s22], s20  }
0x9f: {  	s3 =	ssub.s32 $0x0, s20;
	[sflag:s22] =	ssyncset.done $0x0  }
0xa0: {  	[sflag:s22] =	ssyncadd.s32 s3;
	_ =	sdelay $0x1  }
0xa1: {  	s23 =	simm.s32 $0x1B8B  }
0xa2: {  	_ =	swait.ge [sflag:s23], $0x1  }
0xa3: {  	[sflag:s23] =	ssyncset.done $0x0  }
0xa4: {  	s25 =	simm.s32 $0x1B8E;
	s24 =	sld [smem:$0x3FFE];
	[sflag:s23] =	ssyncadd.s32 $0xFFFFFFFF  }
0xa5: {  	s26 =	simm.s32 $execute0_lowered;
	[smem:$0x3FD2] =	sst s25  }
0xa6: {  	s4 =	sshll.u32 s26, $0x1;
	_ =	strace $0x80000049;
	[dreg:$0x1] =	wrdreg $0xFFFFFFFF  }
0xa7: {  	s28 =	simm.s32 $_size_execute0_lowered;
	s2 =	sadd.s32 s2, s4;
	[dreg:$0x0] =	wrdreg $0x0  }
0xa8: {  	s4 =	sshll.u32 s28, $0x1;
	[dreg:$0x2] =	wrdreg s2  }
0xa9: {  	[dreg:$0x3] =	wrdreg s4  }
0xaa: {  	[dreg:$0x4] =	wrdreg $0xC0  }
0xab: {  	_ =	task [dreg:s6], $0x5FFFF  }
0xac: {  	[dreg:$0x1] =	wrdreg $0xFFFFFFFF  }
0xad: {  	[dreg:$0x0] =	wrdreg $0x60  }
0xae: {  	[dreg:$0x2] =	wrdreg s24  }
0xaf: {  	[dreg:$0x3] =	wrdreg $0x90000  }
0xb0: {  	[dreg:$0x4] =	wrdreg $0x9  }
0xb1: {  	_ =	task.clear_ibuf [dreg:s6], $0x5FFFF;
	_ =	strace $0x90000049  }
0xb2: {  	s29 =	simm.s32 $0x9;
	_ =	strace $0x8000004B  }
0xb3: {  	_ =	swait.ge [sflag:s29], $0x1  }
0xb4: {  	[sflag:s29] =	ssyncadd.s32 $0xFFFFFFFF  }
0xb5: {  	_ =	strace $0x9000004B  }
0xb6: {  	_ =	sfence  }
0xb7: {  	s30 =	sld [smem:$0x0];
	_ =	sdelay $0x2  }
0xb8: {  	s31 =	sshll.u32 s1, $0xD;
	s1 =	sshrl.u32 s1, $0x2  }
0xb9: {  	s3 =	sand.u32 $0x4000, s31;
	s1 =	sadd.s32 s1, s30  }
0xba: {  	s0 =	sor.u32 s3, s0;
	s1 =	sshll.u32 s1, $0x11  }
0xbb: {  	s0 =	sor.u32 s1, s0  }
0xbc: {  	s0 =	sadd.s32 $0x8F2B, s0  }
0xbd: {  	[sflag:s0] =	ssyncadd.remote.s32 $0x1  }
0xbe: {  	_ =	sfence.sel $0xFFFF  }
0xbf: {  	[dreg:$0x0] =	wrdreg $0xFFFFFFFF;
	(pc) =	sbr.abs _section_cstart, $3  }
0xc0: {  	[dreg:$0x1] =	wrdreg $0xFFFFFFFF  }
0xc1: {  	_ =	task.clear_ibuf [dreg:s6], $0x2FFFF;
	_ =	strace $0x9FFFFFFF  }
0xc2: {  	(tm) =	ssettm $0x7FFFFFFF  }
0xc3: {  	_ =	shalt  }
tec
execute0_lowered:
.L_overlay_start_1:
0x0: {  	(tag) =	ssettag $0x1  }
0x1: {  	s8 =	rddreg [dreg:$0x0]  }
0x2: {  	s1 =	rddreg [dreg:$0x1]  }
0x3: {  	s13 =	stileid.u32;
	s0 =	rddreg [dreg:$0x2]  }
0x4: {  	s2 =	simm.s32 $0x0;
	s5 =	srdreg.scid;
	s18 =	simm.s32 $0x1  }
0x5: {  	s19 =	simm.s32 $0x0;
	s9 =	smul.u32 $0x13800, s13;
	[smem:$0x7FF] =	sst s2  }
0x6: {  	s3 =	sadd.s32 $0x3DE00, s8;
	s7 =	sand.u32 $0x1, s5;
	s10 =	smul.u32 $0x4E000, s13  }
0x7: {  	s11 =	sadd.s32 $0x65000, s8;
	s15 =	sshll.u32 s13, $0x6;
	_ =	strace $0x8000004A  }
0x8: {  	s5 =	ssub.s32 $0x2, s7;
	s6 =	sshll.u32 s7, $0x4;
	s31 =	smul.u32 $0x138800, s7  }
0x9: {  	s7 =	sadd.s32 $0x3DC00, s8;
	s4 =	sshrl.u32 s9, $0x3;
	s12 =	sshrl.u32 s5, $0x1  }
0xa: {  	s6 =	sor.u32 s13, s6;
	s28 =	sshrl.u32 s10, $0x2;
	s4 =	sadd.s32 s4, s8  }
0xb: {  	s12 =	ssub.s32 s5, s12;
	s29 =	smin.u32 s6, $0x19;
	s14 =	sadd.s32 s28, s1  }
0xc: {  	s30 =	smax.u32 s6, $0x19;
	s5 =	sor.u32 $0x1C02, s15;
	s15 =	sadd.s32 $0x138000, s1  }
0xd: {  	p0 =	slt.u32 s6, $0x19;
	s6 =	simm.s32 $0x50;
	s10 =	smul.u32 $0x50, s29  }
0xe: {  	s9 =	sadd.s32 s9, s31;
	s4 =	sadd.s32 $0x16C00, s4;
	s16 =	smul.u32 $0x48, s30  }
0xf: {  	s6 =	simm.s32 @!p0 $0x48;
	s17 =	sshrl.u32 s9, $0x3;
	s12 =	smax.u32 s12, $0x1  }
0x10: {  	p0 =	sne.s32 s13, $0x0;
	s13 =	sshrl.u32 s14, $0x3;
	s10 =	sadd.s32 s10, s16  }
0x11: {  	s14 =	simm.s32 $0x2;
	s16 =	sshrl.u32 s31, $0x3;
	s10 =	sshll.u32 s10, $0x4  }
0x12: {  	s15 =	sshrl.u32 @!p0 s15, $0x3;
	s16 =	sadd.s32 s11, s16;
	s10 =	sadd.s32 s8, s10  }
0x13: {  	s8 =	sadd.s32 $0xFFFFB980, s10;
	s9 =	sadd.s32 $0x5780, s10;
	s10 =	sadd.s32 s11, s17  }
0x14: {  	s11 =	sadd.s32 $0x27000, s16;
	s16 =	simm.s32 $0x80;
	s17 =	simm.s32 $0x5000  }
.LBB2_1:
0x15: {  	[spmem:s13], [sflag:s5] =	dma.local [hbm:s4], $0x2700  }
0x16: {  	_ =	swait.ge [sflag:s14], $0x2700  }
0x17: {  	[sflag:s14] =	ssyncset.done $0x0  }
0x18: {  	s20 =	simm.s32 @!p0 $0x2;
	[sflag:s14] =	ssyncadd.s32 $0xFFFFD900  }
0x19: {  	[spmem:s15], [sflag:s5] =	dma.local @!p0 [hbm:s7], $0x200  }
0x1a: {  	_ =	swait.ge @!p0 [sflag:s20], $0x200  }
0x1b: {  	[sflag:s20] =	ssyncset.done @!p0 $0x0  }
0x1c: {  	[sflag:s20] =	ssyncadd.s32 @!p0 $0xFFFFFE00  }
0x1d: {  	[bflag:$0x0] =	sbarrier.arrive $0xFFFF  }
0x1e: {  	[tilespmem:s2], [sflag:$0x2] =	stream.linear.gather [hbm4b:s8+s2], $0x2800, $0x38;
	[tilespmem:$0x1C900] =	vst v63  }
0x1f: {  	_ =	swait.ge [sflag:s14], $0x2800  }
0x20: {  	[sflag:s14] =	ssyncset.done $0x0  }
0x21: {  	s21 =	simm.s32 $0x2800;
	[sflag:s14] =	ssyncadd.s32 $0xFFFFD800  }
0x22: {  	[tilespmem:s21], [sflag:$0x2] =	stream.linear.gather [hbm4b:s9+s2], $0x2800, $0x38;
	[tilespmem:$0x1C900] =	vst v63  }
0x23: {  	_ =	swait.ge [sflag:s14], $0x2800  }
0x24: {  	[sflag:s14] =	ssyncset.done $0x0  }
0x25: {  	[sflag:s14] =	ssyncadd.s32 $0xFFFFD800  }
0x26: {  	[tilespmem:s17], [sflag:$0x1] =	stream.indirect.gather [hbm4b:s3+s16], $0x80, s2, s16, $0xb8;
	[tilespmem:$0x1C900] =	vst v63  }
0x27: {  	p1 =	sne.s32 s6, $0x1;
	_ =	swait.ge [sflag:s18], $0x4000  }
.Ltmp0:
0x28: {  	[sflag:s18] =	ssyncset.done $0x0;
	(pc) =	sbr.rel @!p1 .LBB2_3-.Ltmp0, $4  }
0x29: {  	[sflag:s18] =	ssyncadd.s32 $0xFFFFC000  }
0x2a: {  	[spmem:s1] =	stream.indirect.scatter.add.f32 [tilespmem:s17], [sflag:$0x2], $0x80, s21, s16, $0xb8;
	[tilespmem:$0x1C900] =	vst v63  }
0x2b: {  	_ =	swait.ge [sflag:s14], $0x4000  }
0x2c: {  	s22 =	sadd.s32 $0xFFFFFFFF, s6;
	s23 =	simm.s32 $0x0;
	[sflag:s14] =	ssyncset.done $0x0  }
.LBB2_2:
0x2d: {  	[sflag:s14] =	ssyncadd.s32 $0xFFFFC000;
	s23 =	sadd.s32 $0x80, s23;
	s21 =	sadd.s32 $0x80, s21  }
0x2e: {  	[tilespmem:s17], [sflag:$0x1] =	stream.indirect.gather [hbm4b:s3+s16], $0x80, s23, s16, $0xb8;
	[tilespmem:$0x1C900] =	vst v63  }
0x2f: {  	p1 =	sne.s32 s22, $0x1;
	s22 =	sadd.s32 $0xFFFFFFFF, s22;
	_ =	swait.ge [sflag:s18], $0x4000  }
.Ltmp1:
0x30: {  	[sflag:s18] =	ssyncset.done $0x0;
	(pc) =	sbr.rel @p1 .LBB2_2-.Ltmp1, $4  }
0x31: {  	[sflag:s18] =	ssyncadd.s32 $0xFFFFC000  }
0x32: {  	[spmem:s1] =	stream.indirect.scatter.add.f32 [tilespmem:s17], [sflag:$0x2], $0x80, s21, s16, $0xb8;
	[tilespmem:$0x1C900] =	vst v63  }
0x33: {  	_ =	swait.ge [sflag:s14], $0x4000  }
0x34: {  	[sflag:s14] =	ssyncset.done $0x0  }
.LBB2_3:
0x35: {  	[sflag:s14] =	ssyncadd.s32 $0xFFFFC000  }
0x36: {  	[bflag:$0x0] =	sbarrier.arrive $0xFFFF  }
0x37: {  	[hbm:s10], [sflag:s5] =	dma.local [spmem:s13], $0x2700  }
0x38: {  	s19 =	sadd.s32 $0x1, s19;
	_ =	swait.ge [sflag:s14], $0x2700  }
0x39: {  	p1 =	sne.s32 s19, s12;
	[sflag:s14] =	ssyncset.done $0x0  }
.Ltmp2:
0x3a: {  	[sflag:s14] =	ssyncadd.s32 $0xFFFFD900;
	(pc) =	sbr.rel @p1 .LBB2_1-.Ltmp2, $4  }
0x3b: {  	[hbm:s11], [sflag:s5] =	dma.local @!p0 [spmem:s15], $0x100  }
0x3c: {  	_ =	swait.ge @!p0 [sflag:s20], $0x100  }
0x3d: {  	[sflag:s20] =	ssyncset.done @!p0 $0x0  }
0x3e: {  	[sflag:s20] =	ssyncadd.s32 @!p0 $0xFFFFFF00  }
0x3f: {  	_ =	sfence.sel $0x180000  }
0x40: {  	[bflag:$0x0] =	sbarrier.arrive $0xFFFF  }
0x41: {  	_ =	strace $0x9000004A  }
0x42: {  	s0 =	sadd.s32 @!p0 $0x100000, s0;
	[bflag:$0x2] =	sbarrier.arrive $0xFFFF  }
0x43: {  	[sflag:s0] =	ssyncadd.tile.s32 @!p0 $0x1;
	_ =	shalt  }
.Lfunc_end2:
_tile_overlayer_lowered:
.L_overlay_start_2:
0x44: {  	(tag) =	ssettag $0x2  }
0x45: {  	s0 =	rddreg [dreg:$0x0];
	s2 =	stileid.u32  }
0x46: {  	s1 =	rddreg [dreg:$0x1];
	p0 =	sne.s32 s2, $0x0  }
0x47: {  	s3 =	rddreg [dreg:$0x2];
	[bflag:$0x3] =	sbarrier.arrive $0xFFFF;
	s2 =	simm.s32 @!p0 $0x1C02  }
0x48: {  	[timem:s3], [sflag:s2] =	dma.local @!p0 [hbm:s0], s1  }
0x49: {  	s0 =	simm.s32 @!p0 $0x2  }
0x4a: {  	_ =	swait.ge @!p0 [sflag:s0], s1  }
0x4b: {  	s1 =	ssub.s32 @!p0 $0x0, s1;
	[sflag:s0] =	ssyncset.done @!p0 $0x0  }
0x4c: {  	[sflag:s0] =	ssyncadd.s32 @!p0 s1  }
0x4d: {  	[bflag:$0x3] =	sbarrier.arrive $0xFFFF  }
0x4e: {  	_ =	shalt  }

// kernel: kernel.14.cloned.1.call-start
scs
__scs_entry_jumppad:
0x0: {  	(pc) =	sbr.rel $0x88, $3  }
0x1: {  	(tag) =	ssettag $0x0;
	lr =	simm.s32 $0x1  }
0x2: {  	[smem:$0x3F94] =	sst lr;
	_ =	strace $0xD0000000  }
0x3: {  	_ = 	snop  }
0x4: {  	_ = 	snop  }
0x5: {  	_ = 	snop  }
0x6: {  	_ = 	snop  }
0x7: {  	_ = 	snop  }
__scs_overlays_trampoline_lowered:
0x8: {  	[smem:$0x3FA3] =	sst s0  }
0x9: {  	[smem:$0x3FA4] =	sst s1  }
0xa: {  	[smem:$0x3FA5] =	sst s2  }
0xb: {  	[smem:$0x3FA6] =	sst s3  }
0xc: {  	[smem:$0x3FA7] =	sst s4  }
0xd: {  	[smem:$0x3FA8] =	sst s5  }
0xe: {  	[smem:$0x3FA9] =	sst s6  }
0xf: {  	[smem:$0x3FAA] =	sst s7  }
0x10: {  	[smem:$0x3FAB] =	sst s8  }
0x11: {  	[smem:$0x3FAC] =	sst s9;
	s0 =	simm.s32 @!p0 $0x0  }
0x12: {  	s1 =	sld [smem:$0x3F92];
	s0 =	simm.s32 @p0 $0x1  }
0x13: {  	[smem:$0x3FAD] =	sst s0;
	s0 =	simm.s32 @!p1 $0x0  }
0x14: {  	s2 =	sld [smem:$0x3F91];
	s0 =	simm.s32 @p1 $0x1  }
0x15: {  	[smem:$0x3FAE] =	sst s0;
	s0 =	simm.s32 @!p2 $0x0  }
0x16: {  	s3 =	sld [smem:$0x3FDB];
	s0 =	simm.s32 @p2 $0x1  }
0x17: {  	s4 =	simm.s32 $0x1BF5;
	[smem:$0x3FB0] =	sst s0  }
0x18: {  	s0 =	sld [smem:$0x3F93];
	_ =	swait.ge [sflag:s4], $0x0  }
0x19: {  	s7 =	sld [smem:$0x3F94]  }
0x1a: {  	s8 =	sadd.s32 $0xFFFFE003, lr  }
0x1b: {  	s9 =	sadd.s32 $0xFFFFFEF7, lr;
	s5 =	simm.s32 $0xFFFFFFFF;
	p2 =	slt.u32 s8, $0xFFFFF086  }
0x1c: {  	p1 =	slt.u32 s9, $0xF7A;
	s5 =	simm.s32 @!p2 $0x0  }
0x1d: {  	s5 =	simm.s32 @p1 $0x1;
	p0 =	seq.s32 s7, s2  }
0x1e: {  	s7 =	smul.u32 @!p0 $0xF7A, s2;
	p2 =	seq.s32 @!p0 s5, $0x0  }
0x1f: {  	s9 =	smul.u32 $0xF7A, s1;
	s8 =	simm.s32 @!p0 $0x1BF5;
	p2 =	por !p2, p0  }
0x20: {  	[sflag:s8] =	ssyncset.s32 @!p0 $0xFFFFF086;
	s6 =	sadd.s32 @!p0 s3, s7;
	s7 =	simm.s32 @!p0 $0x108  }
0x21: {  	s3 =	sadd.s32 s3, s9;
	s6 =	sadd.s32 @!p0 $0x88, s6;
	s7 =	simm.s32 @p2 $0x1082  }
0x22: {  	[simem:s7], [sflag:s8] =	dma.local @!p0 [hbm:s6], $0xF7A  }
0x23: {  	s9 =	sor.u32 $0xD0000000, s2;
	s6 =	simm.s32 $0x108;
	_ =	swait.ge @!p0 [sflag:s8], $0x0  }
0x24: {  	s3 =	sadd.s32 $0x88, s3;
	s6 =	simm.s32 @!p1 $0x1082;
	[sflag:s4] =	ssyncset.s32 $0xFFFFF086  }
0x25: {  	[simem:s6], [sflag:s4] =	dma.local [hbm:s3], $0xF7A  }
0x26: {  	[smem:$0x3F94] =	sst s1;
	(tag) =	ssettag s2;
	_ =	strace s9  }
0x27: {  	s1 =	sld [smem:$0x3FA4]  }
0x28: {  	s2 =	sld [smem:$0x3FA5]  }
0x29: {  	s4 =	sld [smem:$0x3FA7]  }
0x2a: {  	p0 =	seq.s32 s5, $0x0;
	s5 =	sld [smem:$0x3FA8]  }
0x2b: {  	s6 =	sld [smem:$0x3FA9]  }
0x2c: {  	s7 =	sld [smem:$0x3FAA]  }
0x2d: {  	s3 =	simm.s32 $0x108;
	s8 =	sld [smem:$0x3FAB]  }
0x2e: {  	s3 =	simm.s32 @!p0 $0x1082;
	s9 =	sld [smem:$0x3FAC]  }
0x2f: {  	lr =	sadd.s32 s0, s3;
	s0 =	sld [smem:$0x3FA3]  }
0x30: {  	s3 =	sld [smem:$0x3FA6]  }
0x31: {  	[smem:$0x3FAF] =	sst s10  }
0x32: {  	s10 =	sld [smem:$0x3FAD];
	_ =	sdelay $0x3  }
0x33: {  	p0 =	seq.s32 s10, $0x1;
	s10 =	sld [smem:$0x3FAF];
	_ =	sdelay $0x3  }
0x34: {  	[smem:$0x3FAF] =	sst s10  }
0x35: {  	s10 =	sld [smem:$0x3FAE];
	_ =	sdelay $0x3  }
0x36: {  	p1 =	seq.s32 s10, $0x1;
	s10 =	sld [smem:$0x3FAF];
	_ =	sdelay $0x3  }
0x37: {  	[smem:$0x3FAF] =	sst s10  }
0x38: {  	s10 =	sld [smem:$0x3FB0]  }
0x39: {  	_ = 	snop;
	(pc) =	sbr.ind lr, $3  }
0x3a: {  	_ = 	snop  }
0x3b: {  	_ = 	snop  }
0x3c: {  	p2 =	seq.s32 s10, $0x1;
	s10 =	sld [smem:$0x3FAF]  }
0x3d: {  	_ =	shalt  }
0x3e: {  	_ =	shalt  }
0x3f: {  	_ =	shalt  }
0x40: {  	_ =	shalt  }
0x41: {  	_ =	shalt  }
0x42: {  	_ =	shalt  }
0x43: {  	_ =	shalt  }
0x44: {  	_ =	shalt  }
0x45: {  	_ =	shalt  }
0x46: {  	_ =	shalt  }
0x47: {  	_ =	shalt  }
0x48: {  	_ =	shalt  }
0x49: {  	_ =	shalt  }
0x4a: {  	_ =	shalt  }
0x4b: {  	_ =	shalt  }
0x4c: {  	_ =	shalt  }
0x4d: {  	_ =	shalt  }
0x4e: {  	_ =	shalt  }
0x4f: {  	_ =	shalt  }
0x50: {  	_ =	shalt  }
0x51: {  	_ =	shalt  }
0x52: {  	_ =	shalt  }
0x53: {  	_ =	shalt  }
0x54: {  	_ =	shalt  }
0x55: {  	_ =	shalt  }
0x56: {  	_ =	shalt  }
0x57: {  	_ =	shalt  }
0x58: {  	_ =	shalt  }
0x59: {  	_ =	shalt  }
0x5a: {  	_ =	shalt  }
0x5b: {  	_ =	shalt  }
0x5c: {  	_ =	shalt  }
0x5d: {  	_ =	shalt  }
0x5e: {  	_ =	shalt  }
0x5f: {  	_ =	shalt  }
0x60: {  	_ =	shalt  }
0x61: {  	_ =	shalt  }
0x62: {  	_ =	shalt  }
0x63: {  	_ =	shalt  }
0x64: {  	_ =	shalt  }
0x65: {  	_ =	shalt  }
0x66: {  	_ =	shalt  }
0x67: {  	_ =	shalt  }
0x68: {  	_ =	shalt  }
0x69: {  	_ =	shalt  }
0x6a: {  	_ =	shalt  }
0x6b: {  	_ =	shalt  }
0x6c: {  	_ =	shalt  }
0x6d: {  	_ =	shalt  }
0x6e: {  	_ =	shalt  }
0x6f: {  	_ =	shalt  }
0x70: {  	_ =	shalt  }
0x71: {  	_ =	shalt  }
0x72: {  	_ =	shalt  }
0x73: {  	_ =	shalt  }
0x74: {  	_ =	shalt  }
0x75: {  	_ =	shalt  }
0x76: {  	_ =	shalt  }
0x77: {  	_ =	shalt  }
0x78: {  	_ =	shalt  }
0x79: {  	_ =	shalt  }
0x7a: {  	_ =	shalt  }
0x7b: {  	_ =	shalt  }
0x7c: {  	_ =	shalt  }
0x7d: {  	_ =	shalt  }
0x7e: {  	_ =	shalt  }
0x7f: {  	_ =	shalt  }
0x80: {  	_ =	shalt  }
0x81: {  	_ =	shalt  }
0x82: {  	_ =	shalt  }
0x83: {  	_ =	shalt  }
0x84: {  	_ =	shalt  }
0x85: {  	_ =	shalt  }
0x86: {  	_ =	shalt  }
0x87: {  	_ =	shalt  }
.Lfunc_end0:
.L_simem_size_0:
called_computation.2_lowered:
.L_overlay_start_0:
0x88: {  	s2 =	sld [smem:$0x3FD9]  }
0x89: {  	s3 =	sld [smem:$0x3FFE];
	_ =	sdelay $0x1  }
0x8a: {  	s1 =	srdreg.scid  }
0x8b: {  	s0 =	sand.u32 $0x1, s1  }
0x8c: {  	s16 =	sshll.u32 s0, $0xA;
	s2 =	sadd.s32 s3, s2  }
0x8d: {  	s2 =	sadd.s32 s2, s16  }
0x8e: {  	[smem:$0x3FBB] =	sst s2  }
0x8f: {  	_ = 	snop  }
0x90: {  	(tm) =	ssettm $0x1  }
0x91: {  	s17 =	sld [smem:$0x3FFB];
	_ =	sdelay $0x3  }
0x92: {  	_ =	strace s17  }
0x93: {  	s2 =	sld [smem:$0x3FFC];
	_ =	sdelay $0x3  }
0x94: {  	_ =	strace s2  }
0x95: {  	s2 =	sld [smem:$0x3FFD];
	_ =	sdelay $0x3  }
0x96: {  	_ =	strace s2  }
0x97: {  	_ =	strace $0x8FFFFFFF  }
0x98: {  	s18 =	sld [smem:$0x3FDB];
	_ =	sdelay $0x1  }
0x99: {  	s19 =	simm.s32 $_scs_section_size  }
0x9a: {  	s4 =	simm.s32 $_size__tile_overlayer_lowered;
	s5 =	simm.s32 $_tile_overlayer_lowered  }
0x9b: {  	s22 =	simm.s32 $0x1BFF;
	s21 =	sshll.u32 s5, $0x1;
	s2 =	sadd.s32 s19, s18  }
0x9c: {  	s6 =	simm.s32 $0x0;
	s20 =	sshll.u32 s4, $0x1;
	s4 =	sadd.s32 s21, s2  }
0x9d: {  	[timem:s6], [sflag:s22] =	dma.local [hbm:s4], s20  }
0x9e: {  	_ =	swait.ge [sflag:s22], s20  }
0x9f: {  	s3 =	ssub.s32 $0x0, s20;
	[sflag:s22] =	ssyncset.done $0x0  }
0xa0: {  	[sflag:s22] =	ssyncadd.s32 s3;
	_ =	sdelay $0x1  }
0xa1: {  	s23 =	simm.s32 $0x1B8B  }
0xa2: {  	_ =	swait.ge [sflag:s23], $0x1  }
0xa3: {  	[sflag:s23] =	ssyncset.done $0x0  }
0xa4: {  	s25 =	simm.s32 $0x1B8E;
	s24 =	sld [smem:$0x3FFE];
	[sflag:s23] =	ssyncadd.s32 $0xFFFFFFFF  }
0xa5: {  	s26 =	simm.s32 $execute0_lowered;
	[smem:$0x3FD2] =	sst s25  }
0xa6: {  	s4 =	sshll.u32 s26, $0x1;
	_ =	strace $0x8000004C;
	[dreg:$0x1] =	wrdreg $0xFFFFFFFF  }
0xa7: {  	s28 =	simm.s32 $_size_execute0_lowered;
	s2 =	sadd.s32 s2, s4;
	[dreg:$0x0] =	wrdreg $0x0  }
0xa8: {  	s4 =	sshll.u32 s28, $0x1;
	[dreg:$0x2] =	wrdreg s2  }
0xa9: {  	[dreg:$0x3] =	wrdreg s4  }
0xaa: {  	[dreg:$0x4] =	wrdreg $0xC0  }
0xab: {  	_ =	task [dreg:s6], $0x5FFFF  }
0xac: {  	[dreg:$0x1] =	wrdreg $0xFFFFFFFF  }
0xad: {  	[dreg:$0x0] =	wrdreg $0x60  }
0xae: {  	[dreg:$0x2] =	wrdreg s24  }
0xaf: {  	[dreg:$0x3] =	wrdreg $0x9  }
0xb0: {  	_ =	task.clear_ibuf [dreg:s6], $0x4FFFF;
	_ =	strace $0x9000004C  }
0xb1: {  	s29 =	simm.s32 $0x9;
	_ =	strace $0x8000004E  }
0xb2: {  	_ =	swait.ge [sflag:s29], $0x1  }
0xb3: {  	[sflag:s29] =	ssyncadd.s32 $0xFFFFFFFF  }
0xb4: {  	_ =	strace $0x9000004E  }
0xb5: {  	_ =	sfence  }
0xb6: {  	s30 =	sld [smem:$0x0];
	_ =	sdelay $0x2  }
0xb7: {  	s31 =	sshll.u32 s1, $0xD;
	s1 =	sshrl.u32 s1, $0x2  }
0xb8: {  	s3 =	sand.u32 $0x4000, s31;
	s1 =	sadd.s32 s1, s30  }
0xb9: {  	s0 =	sor.u32 s3, s0;
	s1 =	sshll.u32 s1, $0x11  }
0xba: {  	s0 =	sor.u32 s1, s0  }
0xbb: {  	s0 =	sadd.s32 $0x8F2B, s0  }
0xbc: {  	[sflag:s0] =	ssyncadd.remote.s32 $0x1  }
0xbd: {  	_ =	sfence.sel $0xFFFF  }
0xbe: {  	[dreg:$0x0] =	wrdreg $0xFFFFFFFF;
	(pc) =	sbr.abs _section_cstart, $3  }
0xbf: {  	[dreg:$0x1] =	wrdreg $0xFFFFFFFF  }
0xc0: {  	_ =	task.clear_ibuf [dreg:s6], $0x2FFFF;
	_ =	strace $0x9FFFFFFF  }
0xc1: {  	(tm) =	ssettm $0x7FFFFFFF  }
tec
execute0_lowered:
.L_overlay_start_1:
0x0: {  	(tag) =	ssettag $0x1  }
0x1: {  	s4 =	rddreg [dreg:$0x0]  }
0x2: {  	s0 =	rddreg [dreg:$0x1];
	s3 =	srdreg.scid  }
0x3: {  	s2 =	simm.s32 $0x0;
	s1 =	stileid.u32;
	s10 =	simm.s32 $0x800  }
0x4: {  	s11 =	simm.s32 $0x80;
	s12 =	simm.s32 $0x1000;
	s13 =	simm.s32 $0x1  }
0x5: {  	s14 =	simm.s32 $0x5000;
	s15 =	simm.s32 $0x2;
	s16 =	simm.s32 $0x0  }
0x6: {  	s5 =	sand.u32 $0x1, s3;
	[smem:$0x7FF] =	sst s2;
	s6 =	sshll.u32 s1, $0x8  }
0x7: {  	s3 =	sadd.s32 $0x2A00, s4;
	s8 =	sshll.u32 s1, $0xF;
	s7 =	sshll.u32 s5, $0xC  }
0x8: {  	_ =	strace $0x8000004D;
	s30 =	sshll.u32 s5, $0x13;
	s5 =	ssub.s32 $0x2, s5  }
0x9: {  	s6 =	sor.u32 s6, s7;
	s7 =	sadd.s32 s30, s4;
	s31 =	sshrl.u32 s5, $0x1  }
0xa: {  	s6 =	sadd.s32 s6, s4;
	s9 =	ssub.s32 s5, s31;
	s8 =	sadd.s32 s8, s7  }
0xb: {  	s4 =	sadd.s32 $0xB3200, s6;
	s5 =	sadd.s32 $0xB5200, s6;
	s6 =	smax.u32 s9, $0x1  }
0xc: {  	s7 =	sadd.s32 $0x1B7200, s8;
	s8 =	sadd.s32 $0xB7200, s8;
	s9 =	simm.s32 $0x3  }
.LBB2_1:
0xd: {  	[tilespmem:s2], [sflag:$0x3] =	stream.linear.gather [hbm4b:s4+s2], $0x800, $0x38;
	[tilespmem:$0x9000] =	vst v63  }
0xe: {  	_ =	swait.ge [sflag:s9], $0x800  }
0xf: {  	[sflag:s9] =	ssyncset.done $0x0  }
0x10: {  	[sflag:s9] =	ssyncadd.s32 $0xFFFFF800  }
0x11: {  	[tilespmem:s10], [sflag:$0x3] =	stream.linear.gather [hbm4b:s5+s2], $0x800, $0x38;
	[tilespmem:$0x9000] =	vst v63  }
0x12: {  	_ =	swait.ge [sflag:s9], $0x800  }
0x13: {  	[sflag:s9] =	ssyncset.done $0x0  }
0x14: {  	s17 =	simm.s32 $0x0;
	[sflag:s9] =	ssyncadd.s32 $0xFFFFF800  }
0x15: {  	[tilespmem:s12], [sflag:$0x1] =	stream.indirect.gather [hbm4b:s3+s11], $0x80, s17, s11, $0xb8;
	[tilespmem:$0x9000] =	vst v63  }
0x16: {  	_ =	swait.ge [sflag:s13], $0x4000  }
0x17: {  	[sflag:s13] =	ssyncset.done $0x0  }
0x18: {  	[sflag:s13] =	ssyncadd.s32 $0xFFFFC000  }
0x19: {  	[hbm4b:s8+s2] =	stream.linear.scatter [tilespmem:s12], [sflag:$0x3], $0x4000, $0x38;
	[tilespmem:$0x9000] =	vst v63  }
0x1a: {  	_ =	swait.ge [sflag:s9], $0x4000  }
0x1b: {  	[sflag:s9] =	ssyncset.done $0x0  }
0x1c: {  	s31 =	simm.s32 $0x800;
	[sflag:s9] =	ssyncadd.s32 $0xFFFFC000  }
0x1d: {  	[tilespmem:s14], [sflag:$0x2] =	stream.indirect.gather [hbm4b:s3+s11], $0x80, s31, s11, $0xb8;
	[tilespmem:$0x9000] =	vst v63  }
0x1e: {  	_ =	swait.ge [sflag:s15], $0x4000  }
0x1f: {  	[sflag:s15] =	ssyncset.done $0x0  }
0x20: {  	[sflag:s15] =	ssyncadd.s32 $0xFFFFC000  }
0x21: {  	[hbm4b:s7+s2] =	stream.linear.scatter [tilespmem:s14], [sflag:$0x3], $0x4000, $0x38;
	[tilespmem:$0x9000] =	vst v63  }
0x22: {  	s19 =	simm.s32 $0x200;
	s20 =	simm.s32 $0x400;
	_ =	swait.ge [sflag:s9], $0x4000  }
0x23: {  	s18 =	sadd.s32 $0x800, s8;
	s17 =	sadd.s32 $0x800, s7;
	[sflag:s9] =	ssyncset.done $0x0  }
.LBB2_2:
0x24: {  	s21 =	sshra.s32 s19, $0x2  }
0x25: {  	[sflag:s9] =	ssyncadd.s32 $0xFFFFC000;
	s19 =	smov.u32 s20;
	s22 =	sadd.s32 $0x200, s20  }
0x26: {  	[tilespmem:s12], [sflag:$0x1] =	stream.indirect.gather [hbm4b:s3+s11], $0x80, s21, s11, $0xb8;
	[tilespmem:$0x9000] =	vst v63  }
0x27: {  	p0 =	sne.s32 s20, $0x1E00;
	_ =	swait.ge [sflag:s13], $0x4000  }
0x28: {  	[sflag:s13] =	ssyncset.done $0x0  }
0x29: {  	[sflag:s13] =	ssyncadd.s32 $0xFFFFC000  }
0x2a: {  	[hbm4b:s18+s2] =	stream.linear.scatter [tilespmem:s12], [sflag:$0x3], $0x4000, $0x38;
	[tilespmem:$0x9000] =	vst v63  }
0x2b: {  	_ =	swait.ge [sflag:s9], $0x4000  }
0x2c: {  	[sflag:s9] =	ssyncset.done $0x0  }
0x2d: {  	s20 =	sadd.s32 $0x800, s21;
	[sflag:s9] =	ssyncadd.s32 $0xFFFFC000  }
0x2e: {  	[tilespmem:s14], [sflag:$0x2] =	stream.indirect.gather [hbm4b:s3+s11], $0x80, s20, s11, $0xb8;
	[tilespmem:$0x9000] =	vst v63  }
0x2f: {  	_ =	swait.ge [sflag:s15], $0x4000  }
.Ltmp0:
0x30: {  	[sflag:s15] =	ssyncset.done $0x0;
	(pc) =	sbr.rel @p0 .LBB2_2-.Ltmp0, $4  }
0x31: {  	[sflag:s15] =	ssyncadd.s32 $0xFFFFC000  }
0x32: {  	[hbm4b:s17+s2] =	stream.linear.scatter [tilespmem:s14], [sflag:$0x3], $0x4000, $0x38;
	[tilespmem:$0x9000] =	vst v63  }
0x33: {  	s18 =	sadd.s32 $0x800, s18;
	_ =	swait.ge [sflag:s9], $0x4000  }
0x34: {  	s20 =	smov.u32 s22;
	s17 =	sadd.s32 $0x800, s17;
	[sflag:s9] =	ssyncset.done $0x0  }
0x35: {  	s19 =	sshra.s32 s19, $0x2;
	[sflag:s9] =	ssyncadd.s32 $0xFFFFC000  }
0x36: {  	[tilespmem:s12], [sflag:$0x1] =	stream.indirect.gather [hbm4b:s3+s11], $0x80, s19, s11, $0xb8;
	[tilespmem:$0x9000] =	vst v63  }
0x37: {  	_ =	swait.ge [sflag:s13], $0x4000  }
0x38: {  	[sflag:s13] =	ssyncset.done $0x0  }
0x39: {  	[sflag:s13] =	ssyncadd.s32 $0xFFFFC000  }
0x3a: {  	[hbm4b:s18+s2] =	stream.linear.scatter [tilespmem:s12], [sflag:$0x3], $0x4000, $0x38;
	[tilespmem:$0x9000] =	vst v63  }
0x3b: {  	_ =	swait.ge [sflag:s9], $0x4000  }
0x3c: {  	[sflag:s9] =	ssyncset.done $0x0  }
0x3d: {  	s31 =	sadd.s32 $0x800, s19;
	[sflag:s9] =	ssyncadd.s32 $0xFFFFC000  }
0x3e: {  	[tilespmem:s14], [sflag:$0x2] =	stream.indirect.gather [hbm4b:s3+s11], $0x80, s31, s11, $0xb8;
	[tilespmem:$0x9000] =	vst v63  }
0x3f: {  	s16 =	sadd.s32 $0x1, s16;
	_ =	swait.ge [sflag:s15], $0x4000  }
0x40: {  	p0 =	sne.s32 s16, s6;
	[sflag:s15] =	ssyncset.done $0x0  }
.Ltmp1:
0x41: {  	[sflag:s15] =	ssyncadd.s32 $0xFFFFC000;
	(pc) =	sbr.rel @p0 .LBB2_1-.Ltmp1, $4  }
0x42: {  	[hbm4b:s17+s2] =	stream.linear.scatter [tilespmem:s14], [sflag:$0x3], $0x4000, $0x38;
	[tilespmem:$0x9000] =	vst v63  }
0x43: {  	_ =	swait.ge [sflag:s9], $0x4000  }
0x44: {  	[sflag:s9] =	ssyncset.done $0x0  }
0x45: {  	[sflag:s9] =	ssyncadd.s32 $0xFFFFC000  }
0x46: {  	_ =	sfence.sel $0x180000  }
0x47: {  	[bflag:$0x0] =	sbarrier.arrive $0xFFFF  }
0x48: {  	p0 =	sne.s32 s1, $0x0;
	_ =	strace $0x9000004D  }
0x49: {  	s0 =	sadd.s32 @!p0 $0x100000, s0;
	[bflag:$0x2] =	sbarrier.arrive $0xFFFF  }
0x4a: {  	[sflag:s0] =	ssyncadd.tile.s32 @!p0 $0x1;
	_ =	shalt  }
.Lfunc_end2:
_tile_overlayer_lowered:
.L_overlay_start_2:
0x4b: {  	(tag) =	ssettag $0x2  }
0x4c: {  	s0 =	rddreg [dreg:$0x0];
	s2 =	stileid.u32  }
0x4d: {  	s1 =	rddreg [dreg:$0x1];
	p0 =	sne.s32 s2, $0x0  }
0x4e: {  	s3 =	rddreg [dreg:$0x2];
	[bflag:$0x3] =	sbarrier.arrive $0xFFFF;
	s2 =	simm.s32 @!p0 $0x1C03  }
0x4f: {  	[timem:s3], [sflag:s2] =	dma.local @!p0 [hbm:s0], s1  }
0x50: {  	s0 =	simm.s32 @!p0 $0x3  }
0x51: {  	_ =	swait.ge @!p0 [sflag:s0], s1  }
0x52: {  	s1 =	ssub.s32 @!p0 $0x0, s1;
	[sflag:s0] =	ssyncset.done @!p0 $0x0  }
0x53: {  	[sflag:s0] =	ssyncadd.s32 @!p0 s1  }
0x54: {  	[bflag:$0x3] =	sbarrier.arrive $0xFFFF  }
0x55: {  	_ =	shalt  }

// kernel: kernel.8.cloned.1.call-start
scs
__scs_entry_jumppad:
0x0: {  	(pc) =	sbr.rel $0x88, $3  }
0x1: {  	(tag) =	ssettag $0x0;
	lr =	simm.s32 $0x1  }
0x2: {  	[smem:$0x3F94] =	sst lr;
	_ =	strace $0xD0000000  }
0x3: {  	_ = 	snop  }
0x4: {  	_ = 	snop  }
0x5: {  	_ = 	snop  }
0x6: {  	_ = 	snop  }
0x7: {  	_ = 	snop  }
__scs_overlays_trampoline_lowered:
0x8: {  	[smem:$0x3FA3] =	sst s0  }
0x9: {  	[smem:$0x3FA4] =	sst s1  }
0xa: {  	[smem:$0x3FA5] =	sst s2  }
0xb: {  	[smem:$0x3FA6] =	sst s3  }
0xc: {  	[smem:$0x3FA7] =	sst s4  }
0xd: {  	[smem:$0x3FA8] =	sst s5  }
0xe: {  	[smem:$0x3FA9] =	sst s6  }
0xf: {  	[smem:$0x3FAA] =	sst s7  }
0x10: {  	[smem:$0x3FAB] =	sst s8  }
0x11: {  	[smem:$0x3FAC] =	sst s9;
	s0 =	simm.s32 @!p0 $0x0  }
0x12: {  	s1 =	sld [smem:$0x3F92];
	s0 =	simm.s32 @p0 $0x1  }
0x13: {  	[smem:$0x3FAD] =	sst s0;
	s0 =	simm.s32 @!p1 $0x0  }
0x14: {  	s2 =	sld [smem:$0x3F91];
	s0 =	simm.s32 @p1 $0x1  }
0x15: {  	[smem:$0x3FAE] =	sst s0;
	s0 =	simm.s32 @!p2 $0x0  }
0x16: {  	s3 =	sld [smem:$0x3FDB];
	s0 =	simm.s32 @p2 $0x1  }
0x17: {  	s4 =	simm.s32 $0x1BF5;
	[smem:$0x3FB0] =	sst s0  }
0x18: {  	s0 =	sld [smem:$0x3F93];
	_ =	swait.ge [sflag:s4], $0x0  }
0x19: {  	s7 =	sld [smem:$0x3F94]  }
0x1a: {  	s8 =	sadd.s32 $0xFFFFE003, lr  }
0x1b: {  	s9 =	sadd.s32 $0xFFFFFEF7, lr;
	s5 =	simm.s32 $0xFFFFFFFF;
	p2 =	slt.u32 s8, $0xFFFFF086  }
0x1c: {  	p1 =	slt.u32 s9, $0xF7A;
	s5 =	simm.s32 @!p2 $0x0  }
0x1d: {  	s5 =	simm.s32 @p1 $0x1;
	p0 =	seq.s32 s7, s2  }
0x1e: {  	s7 =	smul.u32 @!p0 $0xF7A, s2;
	p2 =	seq.s32 @!p0 s5, $0x0  }
0x1f: {  	s9 =	smul.u32 $0xF7A, s1;
	s8 =	simm.s32 @!p0 $0x1BF5;
	p2 =	por !p2, p0  }
0x20: {  	[sflag:s8] =	ssyncset.s32 @!p0 $0xFFFFF086;
	s6 =	sadd.s32 @!p0 s3, s7;
	s7 =	simm.s32 @!p0 $0x108  }
0x21: {  	s3 =	sadd.s32 s3, s9;
	s6 =	sadd.s32 @!p0 $0x88, s6;
	s7 =	simm.s32 @p2 $0x1082  }
0x22: {  	[simem:s7], [sflag:s8] =	dma.local @!p0 [hbm:s6], $0xF7A  }
0x23: {  	s9 =	sor.u32 $0xD0000000, s2;
	s6 =	simm.s32 $0x108;
	_ =	swait.ge @!p0 [sflag:s8], $0x0  }
0x24: {  	s3 =	sadd.s32 $0x88, s3;
	s6 =	simm.s32 @!p1 $0x1082;
	[sflag:s4] =	ssyncset.s32 $0xFFFFF086  }
0x25: {  	[simem:s6], [sflag:s4] =	dma.local [hbm:s3], $0xF7A  }
0x26: {  	[smem:$0x3F94] =	sst s1;
	(tag) =	ssettag s2;
	_ =	strace s9  }
0x27: {  	s1 =	sld [smem:$0x3FA4]  }
0x28: {  	s2 =	sld [smem:$0x3FA5]  }
0x29: {  	s4 =	sld [smem:$0x3FA7]  }
0x2a: {  	p0 =	seq.s32 s5, $0x0;
	s5 =	sld [smem:$0x3FA8]  }
0x2b: {  	s6 =	sld [smem:$0x3FA9]  }
0x2c: {  	s7 =	sld [smem:$0x3FAA]  }
0x2d: {  	s3 =	simm.s32 $0x108;
	s8 =	sld [smem:$0x3FAB]  }
0x2e: {  	s3 =	simm.s32 @!p0 $0x1082;
	s9 =	sld [smem:$0x3FAC]  }
0x2f: {  	lr =	sadd.s32 s0, s3;
	s0 =	sld [smem:$0x3FA3]  }
0x30: {  	s3 =	sld [smem:$0x3FA6]  }
0x31: {  	[smem:$0x3FAF] =	sst s10  }
0x32: {  	s10 =	sld [smem:$0x3FAD];
	_ =	sdelay $0x3  }
0x33: {  	p0 =	seq.s32 s10, $0x1;
	s10 =	sld [smem:$0x3FAF];
	_ =	sdelay $0x3  }
0x34: {  	[smem:$0x3FAF] =	sst s10  }
0x35: {  	s10 =	sld [smem:$0x3FAE];
	_ =	sdelay $0x3  }
0x36: {  	p1 =	seq.s32 s10, $0x1;
	s10 =	sld [smem:$0x3FAF];
	_ =	sdelay $0x3  }
0x37: {  	[smem:$0x3FAF] =	sst s10  }
0x38: {  	s10 =	sld [smem:$0x3FB0]  }
0x39: {  	_ = 	snop;
	(pc) =	sbr.ind lr, $3  }
0x3a: {  	_ = 	snop  }
0x3b: {  	_ = 	snop  }
0x3c: {  	p2 =	seq.s32 s10, $0x1;
	s10 =	sld [smem:$0x3FAF]  }
0x3d: {  	_ =	shalt  }
0x3e: {  	_ =	shalt  }
0x3f: {  	_ =	shalt  }
0x40: {  	_ =	shalt  }
0x41: {  	_ =	shalt  }
0x42: {  	_ =	shalt  }
0x43: {  	_ =	shalt  }
0x44: {  	_ =	shalt  }
0x45: {  	_ =	shalt  }
0x46: {  	_ =	shalt  }
0x47: {  	_ =	shalt  }
0x48: {  	_ =	shalt  }
0x49: {  	_ =	shalt  }
0x4a: {  	_ =	shalt  }
0x4b: {  	_ =	shalt  }
0x4c: {  	_ =	shalt  }
0x4d: {  	_ =	shalt  }
0x4e: {  	_ =	shalt  }
0x4f: {  	_ =	shalt  }
0x50: {  	_ =	shalt  }
0x51: {  	_ =	shalt  }
0x52: {  	_ =	shalt  }
0x53: {  	_ =	shalt  }
0x54: {  	_ =	shalt  }
0x55: {  	_ =	shalt  }
0x56: {  	_ =	shalt  }
0x57: {  	_ =	shalt  }
0x58: {  	_ =	shalt  }
0x59: {  	_ =	shalt  }
0x5a: {  	_ =	shalt  }
0x5b: {  	_ =	shalt  }
0x5c: {  	_ =	shalt  }
0x5d: {  	_ =	shalt  }
0x5e: {  	_ =	shalt  }
0x5f: {  	_ =	shalt  }
0x60: {  	_ =	shalt  }
0x61: {  	_ =	shalt  }
0x62: {  	_ =	shalt  }
0x63: {  	_ =	shalt  }
0x64: {  	_ =	shalt  }
0x65: {  	_ =	shalt  }
0x66: {  	_ =	shalt  }
0x67: {  	_ =	shalt  }
0x68: {  	_ =	shalt  }
0x69: {  	_ =	shalt  }
0x6a: {  	_ =	shalt  }
0x6b: {  	_ =	shalt  }
0x6c: {  	_ =	shalt  }
0x6d: {  	_ =	shalt  }
0x6e: {  	_ =	shalt  }
0x6f: {  	_ =	shalt  }
0x70: {  	_ =	shalt  }
0x71: {  	_ =	shalt  }
0x72: {  	_ =	shalt  }
0x73: {  	_ =	shalt  }
0x74: {  	_ =	shalt  }
0x75: {  	_ =	shalt  }
0x76: {  	_ =	shalt  }
0x77: {  	_ =	shalt  }
0x78: {  	_ =	shalt  }
0x79: {  	_ =	shalt  }
0x7a: {  	_ =	shalt  }
0x7b: {  	_ =	shalt  }
0x7c: {  	_ =	shalt  }
0x7d: {  	_ =	shalt  }
0x7e: {  	_ =	shalt  }
0x7f: {  	_ =	shalt  }
0x80: {  	_ =	shalt  }
0x81: {  	_ =	shalt  }
0x82: {  	_ =	shalt  }
0x83: {  	_ =	shalt  }
0x84: {  	_ =	shalt  }
0x85: {  	_ =	shalt  }
0x86: {  	_ =	shalt  }
0x87: {  	_ =	shalt  }
.Lfunc_end0:
.L_simem_size_0:
called_computation_lowered:
.L_overlay_start_0:
0x88: {  	s2 =	sld [smem:$0x3FD9]  }
0x89: {  	s3 =	sld [smem:$0x3FFE];
	_ =	sdelay $0x1  }
0x8a: {  	s1 =	srdreg.scid  }
0x8b: {  	s0 =	sand.u32 $0x1, s1  }
0x8c: {  	s17 =	sshll.u32 s0, $0xA;
	s2 =	sadd.s32 s3, s2  }
0x8d: {  	s2 =	sadd.s32 s2, s17  }
0x8e: {  	[smem:$0x3FBB] =	sst s2  }
0x8f: {  	_ = 	snop  }
0x90: {  	s2 =	sld [smem:$0x3FC9]  }
0x91: {  	s18 =	sld [smem:$0x3FD0];
	(tm) =	ssettm $0x1  }
0x92: {  	s4 =	sld [smem:$0x3FFB];
	_ =	sdelay $0x3  }
0x93: {  	_ =	strace s4  }
0x94: {  	s4 =	sld [smem:$0x3FFC];
	_ =	sdelay $0x3  }
0x95: {  	_ =	strace s4  }
0x96: {  	s4 =	sld [smem:$0x3FFD];
	_ =	sdelay $0x3  }
0x97: {  	_ =	strace s4  }
0x98: {  	_ =	strace $0x8FFFFFFF  }
0x99: {  	s19 =	sld [smem:$0x3FDB];
	_ =	sdelay $0x1  }
0x9a: {  	s5 =	simm.s32 $_scs_section_size  }
0x9b: {  	s6 =	simm.s32 $_size__tile_overlayer_lowered;
	s7 =	simm.s32 $_tile_overlayer_lowered  }
0x9c: {  	s22 =	simm.s32 $0x1BFF;
	s21 =	sshll.u32 s7, $0x1;
	s4 =	sadd.s32 s5, s19  }
0x9d: {  	s8 =	simm.s32 $0x0;
	s20 =	sshll.u32 s6, $0x1;
	s6 =	sadd.s32 s21, s4  }
0x9e: {  	[timem:s8], [sflag:s22] =	dma.local [hbm:s6], s20  }
0x9f: {  	_ =	swait.ge [sflag:s22], s20  }
0xa0: {  	s5 =	ssub.s32 $0x0, s20;
	[sflag:s22] =	ssyncset.done $0x0  }
0xa1: {  	[sflag:s22] =	ssyncadd.s32 s5;
	_ =	sdelay $0x1  }
0xa2: {  	s23 =	simm.s32 $0x1B8B  }
0xa3: {  	_ =	swait.ge [sflag:s23], $0x1  }
0xa4: {  	[sflag:s23] =	ssyncset.done $0x0  }
0xa5: {  	s25 =	simm.s32 $0x1B8E;
	s24 =	sld [smem:$0x3FFE];
	[sflag:s23] =	ssyncadd.s32 $0xFFFFFFFF  }
0xa6: {  	s26 =	simm.s32 $execute0_lowered;
	[smem:$0x3FD2] =	sst s25  }
0xa7: {  	s6 =	sshll.u32 s26, $0x1;
	_ =	strace $0x80000046;
	[dreg:$0x1] =	wrdreg $0xFFFFFFFF  }
0xa8: {  	s28 =	simm.s32 $_size_execute0_lowered;
	s4 =	sadd.s32 s4, s6;
	[dreg:$0x0] =	wrdreg $0x0  }
0xa9: {  	s6 =	sshll.u32 s28, $0x1;
	[dreg:$0x2] =	wrdreg s4  }
0xaa: {  	[dreg:$0x3] =	wrdreg s6  }
0xab: {  	[dreg:$0x4] =	wrdreg $0xC0  }
0xac: {  	_ =	task [dreg:s8], $0x5FFFF  }
0xad: {  	[dreg:$0x1] =	wrdreg $0xFFFFFFFF  }
0xae: {  	[dreg:$0x0] =	wrdreg $0x60  }
0xaf: {  	[dreg:$0x2] =	wrdreg s2  }
0xb0: {  	[dreg:$0x3] =	wrdreg s24  }
0xb1: {  	[dreg:$0x4] =	wrdreg s18  }
0xb2: {  	[dreg:$0x5] =	wrdreg $0x90000  }
0xb3: {  	[dreg:$0x6] =	wrdreg $0x1C9800  }
0xb4: {  	[dreg:$0x7] =	wrdreg $0x9  }
0xb5: {  	_ =	task.clear_ibuf [dreg:s8], $0x8FFFF;
	_ =	strace $0x90000046  }
0xb6: {  	s29 =	simm.s32 $0x9;
	_ =	strace $0x80000048  }
0xb7: {  	_ =	swait.ge [sflag:s29], $0x1  }
0xb8: {  	[sflag:s29] =	ssyncadd.s32 $0xFFFFFFFF  }
0xb9: {  	_ =	strace $0x90000048  }
0xba: {  	_ =	sfence  }
0xbb: {  	s30 =	sld [smem:$0x0];
	_ =	sdelay $0x2  }
0xbc: {  	s31 =	sshll.u32 s1, $0xD;
	s1 =	sshrl.u32 s1, $0x2  }
0xbd: {  	s3 =	sand.u32 $0x4000, s31;
	s1 =	sadd.s32 s1, s30  }
0xbe: {  	s0 =	sor.u32 s3, s0;
	s1 =	sshll.u32 s1, $0x11  }
0xbf: {  	s0 =	sor.u32 s1, s0  }
0xc0: {  	s0 =	sadd.s32 $0x8F2B, s0  }
0xc1: {  	[sflag:s0] =	ssyncadd.remote.s32 $0x1  }
0xc2: {  	_ =	sfence.sel $0xFFFF  }
0xc3: {  	[dreg:$0x0] =	wrdreg $0xFFFFFFFF;
	(pc) =	sbr.abs _section_cstart, $3  }
0xc4: {  	[dreg:$0x1] =	wrdreg $0xFFFFFFFF  }
0xc5: {  	_ =	task.clear_ibuf [dreg:s8], $0x2FFFF;
	_ =	strace $0x9FFFFFFF  }
0xc6: {  	(tm) =	ssettm $0x7FFFFFFF  }
0xc7: {  	_ =	shalt  }
tec
execute0_lowered:
.L_overlay_start_1:
0x0: {  	(tag) =	ssettag $0x1  }
0x1: {  	s0 =	rddreg [dreg:$0x0]  }
0x2: {  	s1 =	rddreg [dreg:$0x1]  }
0x3: {  	s16 =	rddreg [dreg:$0x2]  }
0x4: {  	s2 =	rddreg [dreg:$0x3]  }
0x5: {  	s3 =	rddreg [dreg:$0x4];
	s18 =	stileid.u32;
	s4 =	simm.s32 $0x0  }
0x6: {  	s7 =	srdreg.scid;
	s22 =	simm.s32 $0x1;
	s14 =	smul.u32 $0x13800, s18  }
0x7: {  	s23 =	simm.s32 $0x1C900;
	[smem:$0x7FF] =	sst s4;
	s9 =	smul.u32 $0x280, s18  }
0x8: {  	s15 =	sand.u32 $0x1, s7;
	s8 =	smul.u32 $0x4E000, s18;
	s17 =	sadd.s32 $0x3DE00, s1  }
0x9: {  	s29 =	sshll.u32 s18, $0x6;
	s31 =	smul.u32 $0x500, s18;
	_ =	strace $0x80000047  }
0xa: {  	s24 =	ssub.s32 $0x2, s15;
	s7 =	sshll.u32 s15, $0x4;
	s21 =	smul.u32 $0x138800, s15  }
0xb: {  	s15 =	sshll.u32 s15, $0x7;
	s5 =	sshrl.u32 s14, $0x3;
	s6 =	sshrl.u32 s9, $0x3  }
0xc: {  	s11 =	sshrl.u32 s24, $0x1;
	s12 =	sor.u32 s18, s7;
	s25 =	sshrl.u32 s8, $0x2  }
0xd: {  	s8 =	sadd.s32 $0x3DC00, s1;
	s9 =	sadd.s32 s9, s3;
	s5 =	sadd.s32 s5, s1  }
0xe: {  	s10 =	sadd.s32 s6, s1;
	s19 =	ssub.s32 s24, s11;
	s7 =	smin.u32 s12, $0x19  }
0xf: {  	s20 =	sadd.s32 s25, s2;
	s28 =	smax.u32 s12, $0x19;
	s6 =	sor.u32 $0x1C02, s29  }
0x10: {  	p0 =	slt.u32 s12, $0x19;
	s11 =	simm.s32 $0x50;
	s14 =	sadd.s32 s14, s21  }
0x11: {  	s21 =	sshrl.u32 s21, $0x3;
	s25 =	simm.s32 $0x10;
	s26 =	smul.u32 $0x50, s7  }
0x12: {  	s5 =	sadd.s32 $0x16C00, s5;
	s13 =	smul.u32 $0x48, s28;
	s7 =	sadd.s32 $0x138000, s2  }
0x13: {  	s10 =	sadd.s32 $0x16600, s10;
	s11 =	simm.s32 @!p0 $0x48;
	s14 =	sshrl.u32 s14, $0x3  }
0x14: {  	s21 =	sadd.s32 s17, s21;
	p0 =	sne.s32 s18, $0x0;
	s13 =	sadd.s32 s26, s13  }
0x15: {  	s18 =	sshrl.u32 s20, $0x3;
	s20 =	simm.s32 $0x80;
	s30 =	sshll.u32 s13, $0x4  }
0x16: {  	s14 =	sadd.s32 s17, s14;
	s17 =	smax.u32 s19, $0x1;
	s1 =	sadd.s32 s1, s30  }
0x17: {  	s12 =	sadd.s32 $0xFFFFB980, s1;
	s13 =	sadd.s32 $0x5780, s1;
	s1 =	sor.u32 s15, s31  }
0x18: {  	s19 =	simm.s32 $0x2;
	s26 =	simm.s32 $0x0;
	s1 =	sshrl.u32 s1, $0x3  }
0x19: {  	v0 =	vimm.f32 $1.000000000e+00;
	s15 =	sadd.s32 $0x27000, s21;
	s21 =	simm.s32 $0x5000;
	s16 =	sadd.s32 s16, s1  }
.LBB2_1:
0x1a: {  	[spmem:s18], [sflag:s6] =	dma.local [hbm:s5], $0x2700  }
0x1b: {  	_ =	swait.ge [sflag:s19], $0x2700  }
0x1c: {  	[sflag:s19] =	ssyncset.done $0x0  }
0x1d: {  	s29 =	sshrl.u32 @!p0 s7, $0x3;
	s28 =	simm.s32 @!p0 $0x2;
	[sflag:s19] =	ssyncadd.s32 $0xFFFFD900  }
0x1e: {  	[spmem:s29], [sflag:s6] =	dma.local @!p0 [hbm:s8], $0x200  }
0x1f: {  	_ =	swait.ge @!p0 [sflag:s28], $0x200  }
0x20: {  	[sflag:s28] =	ssyncset.done @!p0 $0x0  }
0x21: {  	[sflag:s28] =	ssyncadd.s32 @!p0 $0xFFFFFE00  }
0x22: {  	[tilespmem:$0x1C900] =	vst v0  }
0x23: {  	[tilespmem:$0x1C910] =	vst v0  }
0x24: {  	[tilespmem:$0x1C920] =	vst v0  }
0x25: {  	[tilespmem:$0x1C930] =	vst v0  }
0x26: {  	[tilespmem:$0x1C940] =	vst v0  }
0x27: {  	[tilespmem:$0x1C950] =	vst v0  }
0x28: {  	[tilespmem:$0x1C960] =	vst v0  }
0x29: {  	s30 =	sshrl.u32 s9, $0x3;
	[tilespmem:$0x1C970] =	vst v0  }
0x2a: {  	[spmem:s30], [sflag:s6] =	dma.local [hbm:s10], $0x50  }
0x2b: {  	_ =	swait.ge [sflag:s19], $0x50  }
0x2c: {  	[sflag:s19] =	ssyncset.done $0x0  }
0x2d: {  	[sflag:s19] =	ssyncadd.s32 $0xFFFFFFB0  }
0x2e: {  	[bflag:$0x0] =	sbarrier.arrive $0xFFFF  }
0x2f: {  	[tilespmem:s4], [sflag:$0x2] =	stream.linear.gather [hbm4b:s12+s4], $0x2800, $0x38;
	[tilespmem:$0x1CC00] =	vst v63  }
0x30: {  	_ =	swait.ge [sflag:s19], $0x2800  }
0x31: {  	[sflag:s19] =	ssyncset.done $0x0  }
0x32: {  	s31 =	simm.s32 $0x2800;
	[sflag:s19] =	ssyncadd.s32 $0xFFFFD800  }
0x33: {  	[tilespmem:s31], [sflag:$0x2] =	stream.linear.gather [hbm4b:s13+s4], $0x2800, $0x38;
	[tilespmem:$0x1CC00] =	vst v63  }
0x34: {  	_ =	swait.ge [sflag:s19], $0x2800  }
0x35: {  	[sflag:s19] =	ssyncset.done $0x0  }
0x36: {  	[sflag:s19] =	ssyncadd.s32 $0xFFFFD800  }
0x37: {  	[tilespmem:s21], [sflag:$0x1] =	stream.indirect.gather [hbm4b:s0+s20], $0x80, s4, s20, $0xb8;
	[tilespmem:$0x1CC00] =	vst v63  }
0x38: {  	_ =	swait.ge [sflag:s22], $0x4000  }
0x39: {  	[sflag:s22] =	ssyncset.done $0x0  }
0x3a: {  	[sflag:s22] =	ssyncadd.s32 $0xFFFFC000  }
0x3b: {  	[spmem:s2] =	stream.indirect.scatter.add.f32 [tilespmem:s21], [sflag:$0x2], $0x80, s31, s20, $0xb8;
	[tilespmem:$0x1CC00] =	vst v63  }
0x3c: {  	p1 =	sne.s32 s11, $0x1;
	_ =	swait.ge [sflag:s19], $0x4000  }
.Ltmp0:
0x3d: {  	[sflag:s19] =	ssyncset.done $0x0;
	(pc) =	sbr.rel @!p1 .LBB2_3-.Ltmp0, $4  }
0x3e: {  	[sflag:s19] =	ssyncadd.s32 $0xFFFFC000  }
0x3f: {  	[spmem:s3] =	stream.indirect.scatter.add.f32 [tilespmem:s23], [sflag:$0x2], $0x1, s31, s20, $0xb8;
	[tilespmem:$0x1CC00] =	vst v63  }
0x40: {  	_ =	swait.ge [sflag:s19], $0x80  }
0x41: {  	s1 =	sadd.s32 $0xFFFFFFFF, s11;
	s24 =	simm.s32 $0x0;
	[sflag:s19] =	ssyncset.done $0x0  }
.LBB2_2:
0x42: {  	[sflag:s19] =	ssyncadd.s32 $0xFFFFFF80;
	s24 =	sadd.s32 $0x80, s24;
	s31 =	sadd.s32 $0x80, s31  }
0x43: {  	[tilespmem:s21], [sflag:$0x1] =	stream.indirect.gather [hbm4b:s0+s20], $0x80, s24, s20, $0xb8;
	[tilespmem:$0x1CC00] =	vst v63  }
0x44: {  	p1 =	sne.s32 s1, $0x1;
	s1 =	sadd.s32 $0xFFFFFFFF, s1;
	_ =	swait.ge [sflag:s22], $0x4000  }
0x45: {  	[sflag:s22] =	ssyncset.done $0x0  }
0x46: {  	[sflag:s22] =	ssyncadd.s32 $0xFFFFC000  }
0x47: {  	[spmem:s2] =	stream.indirect.scatter.add.f32 [tilespmem:s21], [sflag:$0x2], $0x80, s31, s20, $0xb8;
	[tilespmem:$0x1CC00] =	vst v63  }
0x48: {  	_ =	swait.ge [sflag:s19], $0x4000  }
.Ltmp1:
0x49: {  	[sflag:s19] =	ssyncset.done $0x0;
	(pc) =	sbr.rel @p1 .LBB2_2-.Ltmp1, $4  }
0x4a: {  	[sflag:s19] =	ssyncadd.s32 $0xFFFFC000  }
0x4b: {  	[spmem:s3] =	stream.indirect.scatter.add.f32 [tilespmem:s23], [sflag:$0x2], $0x1, s31, s20, $0xb8;
	[tilespmem:$0x1CC00] =	vst v63  }
0x4c: {  	_ =	swait.ge [sflag:s19], $0x80  }
0x4d: {  	[sflag:s19] =	ssyncset.done $0x0  }
.LBB2_3:
0x4e: {  	[sflag:s19] =	ssyncadd.s32 $0xFFFFFF80  }
0x4f: {  	[bflag:$0x0] =	sbarrier.arrive $0xFFFF  }
0x50: {  	[hbm:s14], [sflag:s6] =	dma.local [spmem:s18], $0x2700  }
0x51: {  	_ =	swait.ge [sflag:s19], $0x2700  }
0x52: {  	[sflag:s19] =	ssyncset.done $0x0  }
0x53: {  	[sflag:s19] =	ssyncadd.s32 $0xFFFFD900  }
0x54: {  	[hbm:s15], [sflag:s6] =	dma.local @!p0 [spmem:s29], $0x100  }
0x55: {  	s26 =	sadd.s32 $0x1, s26;
	_ =	swait.ge @!p0 [sflag:s28], $0x100  }
0x56: {  	p1 =	sne.s32 s26, s17;
	[sflag:s28] =	ssyncset.done @!p0 $0x0  }
.Ltmp2:
0x57: {  	s1 =	simm.s32 $0x20;
	[sflag:s28] =	ssyncadd.s32 @!p0 $0xFFFFFF00;
	(pc) =	sbr.rel @p1 .LBB2_1-.Ltmp2, $4  }
0x58: {  	[hbm:s16@s1], [sflag:s6] =	dma.strided [spmem:s30@s25], $0x50, s22, $0x10   }
0x59: {  	_ =	swait.ge [sflag:s19], $0x50  }
0x5a: {  	[sflag:s19] =	ssyncset.done $0x0  }
0x5b: {  	[sflag:s19] =	ssyncadd.s32 $0xFFFFFFB0  }
0x5c: {  	_ =	sfence.sel $0x180000  }
0x5d: {  	[bflag:$0x0] =	sbarrier.arrive $0xFFFF  }
0x5e: {  	_ =	strace $0x90000047  }
0x5f: {  	[bflag:$0x2] =	sbarrier.arrive $0xFFFF  }
0x60: {  	s0 =	rddreg [dreg:$0x5]  }
0x61: {  	s0 =	sadd.s32 @!p0 $0x100000, s0  }
0x62: {  	[sflag:s0] =	ssyncadd.tile.s32 @!p0 $0x1;
	_ =	shalt  }
.Lfunc_end2:
_tile_overlayer_lowered:
.L_overlay_start_2:
0x63: {  	(tag) =	ssettag $0x2  }
0x64: {  	s0 =	rddreg [dreg:$0x0];
	s2 =	stileid.u32  }
0x65: {  	s1 =	rddreg [dreg:$0x1];
	p0 =	sne.s32 s2, $0x0  }
0x66: {  	s3 =	rddreg [dreg:$0x2];
	[bflag:$0x3] =	sbarrier.arrive $0xFFFF;
	s2 =	simm.s32 @!p0 $0x1C02  }
0x67: {  	[timem:s3], [sflag:s2] =	dma.local @!p0 [hbm:s0], s1  }
0x68: {  	s0 =	simm.s32 @!p0 $0x2  }
0x69: {  	_ =	swait.ge @!p0 [sflag:s0], s1  }
0x6a: {  	s1 =	ssub.s32 @!p0 $0x0, s1;
	[sflag:s0] =	ssyncset.done @!p0 $0x0  }
0x6b: {  	[sflag:s0] =	ssyncadd.s32 @!p0 s1  }
0x6c: {  	[bflag:$0x3] =	sbarrier.arrive $0xFFFF  }
0x6d: {  	_ =	shalt  }

</sc_bundles>
